<compile_context>
chip_gen: v7x
topology: tpu7x:2x2x1
jax: 0.10.2.dev20260603
libtpu: 0.0.44.dev20260713+nightly
codegen_flags: <defaults>
</compile_context>

<pallas_src>
import jax
import jax.numpy as jnp
from jax.experimental import pallas as pl
from jax.experimental.pallas import tpu as pltpu

NUM_HEADS = 32
NUM_KV_HEADS = 8
HEAD_DIM = 128
BLOCK = 128
GATE_DIM = 64
NB = 16
NREP = NUM_HEADS // NUM_KV_HEADS
CW = 4
CWT = CW * BLOCK
QS = NREP * BLOCK
NEG = -1e30


def _gate_kernel(qb_ref, kb_ref, wq_ref, wk_ref, bias_ref):
    row = jax.lax.broadcasted_iota(jnp.int32, (NB, NB), 0)
    col = jax.lax.broadcasted_iota(jnp.int32, (NB, NB), 1)
    eye = row == col
    wq = wq_ref[...].astype(jnp.bfloat16)
    wk = wk_ref[...].astype(jnp.bfloat16)
    for h in range(NUM_HEADS):
        kvh = h // NREP
        hi = h % NREP
        gq = jnp.dot(qb_ref[h].astype(jnp.bfloat16), wq,
                     preferred_element_type=jnp.float32)
        gk = jnp.dot(kb_ref[h].astype(jnp.bfloat16), wk,
                     preferred_element_type=jnp.float32)
        logits = jax.lax.dot_general(
            gq.astype(jnp.bfloat16), gk.astype(jnp.bfloat16),
            (((1,), (1,)), ((), ())),
            preferred_element_type=jnp.float32) * 0.125
        active = (jax.nn.sigmoid(logits) > 0.5) | eye
        bias_ref[:, kvh, hi, :] = jnp.where(active, 0.0, NEG)


def _flash_kernel(q_ref, k_ref, v_ref, bias_ref, o_ref):
    qn = pl.program_id(1)

    q = jnp.concatenate(
        [q_ref[:, hi * HEAD_DIM:(hi + 1) * HEAD_DIM] for hi in range(NREP)],
        axis=0)

    b44 = bias_ref[0, 0].astype(jnp.bfloat16)
    er_r = jax.lax.broadcasted_iota(jnp.int32, (QS, NREP), 0) // BLOCK
    er_c = jax.lax.broadcasted_iota(jnp.int32, (QS, NREP), 1)
    e_r = (er_r == er_c).astype(jnp.bfloat16)
    b512 = jnp.dot(e_r, b44, preferred_element_type=jnp.float32).astype(
        jnp.bfloat16)

    def chunk(ch, carry, causal):
        m_p, l_p, acc = carry
        kc = k_ref[pl.ds(ch * CWT, CWT), :]
        vc = v_ref[pl.ds(ch * CWT, CWT), :]
        sij = jax.lax.dot_general(
            q, kc, (((1,), (1,)), ((), ())),
            preferred_element_type=jnp.float32)
        mrow = jax.lax.broadcasted_iota(jnp.int32, (NB, CWT), 0)
        colb = jax.lax.broadcasted_iota(jnp.int32, (NB, CWT), 1) // BLOCK
        e_c = (mrow == colb + CW * ch).astype(jnp.bfloat16)
        bias = jnp.dot(b512, e_c, preferred_element_type=jnp.float32)
        sij = sij + bias
        if causal:
            r = jax.lax.broadcasted_iota(jnp.int32, (QS, CWT), 0)
            c = jax.lax.broadcasted_iota(jnp.int32, (QS, CWT), 1)
            qtok = qn * BLOCK + jnp.bitwise_and(r, BLOCK - 1)
            ktok = ch * CWT + c
            sij = jnp.where(qtok >= ktok, sij, NEG)
        m_c = jnp.maximum(m_p, jnp.max(sij, axis=1, keepdims=True))
        alpha = jnp.exp(m_p - m_c)
        p = jnp.exp(sij - m_c)
        l_c = l_p * alpha + jnp.sum(p, axis=1, keepdims=True)
        acc = acc * alpha + jax.lax.dot(
            p.astype(v_ref.dtype), vc, preferred_element_type=jnp.float32)
        return m_c, l_c, acc

    init = (jnp.full((QS, 1), NEG, jnp.float32),
            jnp.zeros((QS, 1), jnp.float32),
            jnp.zeros((QS, HEAD_DIM), jnp.float32))
    nfull = qn // CW
    carry = jax.lax.fori_loop(
        0, nfull, lambda ch, c: chunk(ch, c, causal=False), init)
    m_f, l_f, acc = chunk(nfull, carry, causal=True)

    out = acc / l_f
    for hi in range(NREP):
        o_ref[:, hi * HEAD_DIM:(hi + 1) * HEAD_DIM] = \
            out[hi * BLOCK:(hi + 1) * BLOCK, :]


def kernel(query, key, value, Wq_g, Wk_g):
    T = query.shape[0]
    H, KVH, D, B = NUM_HEADS, NUM_KV_HEADS, HEAD_DIM, BLOCK

    q4 = query.reshape(1, T, H, D).transpose(0, 2, 1, 3)
    k4 = key.reshape(1, T, KVH, D).transpose(0, 2, 1, 3)
    k4 = jnp.repeat(k4, NREP, axis=1)
    qb = q4.reshape(1, H, NB, B, D).mean(axis=3)[0]
    kb = k4.reshape(1, H, NB, B, D).mean(axis=3)[0]

    bias = pl.pallas_call(
        _gate_kernel,
        in_specs=[
            pl.BlockSpec((H, NB, D), lambda: (0, 0, 0)),
            pl.BlockSpec((H, NB, D), lambda: (0, 0, 0)),
            pl.BlockSpec((D, GATE_DIM), lambda: (0, 0)),
            pl.BlockSpec((D, GATE_DIM), lambda: (0, 0)),
        ],
        out_specs=pl.BlockSpec((NB, KVH, NREP, NB),
                               lambda: (0, 0, 0, 0)),
        out_shape=jax.ShapeDtypeStruct((NB, KVH, NREP, NB), jnp.float32),
    )(qb, kb, Wq_g, Wk_g)

    scale = D ** -0.5
    qh = (query * scale).astype(jnp.bfloat16)
    kh = key.astype(jnp.bfloat16)
    vh = value.astype(jnp.bfloat16)

    out = pl.pallas_call(
        _flash_kernel,
        grid=(KVH, NB),
        in_specs=[
            pl.BlockSpec((B, NREP * D), lambda kvh, qn: (qn, kvh)),
            pl.BlockSpec((T, D), lambda kvh, qn: (0, kvh)),
            pl.BlockSpec((T, D), lambda kvh, qn: (0, kvh)),
            pl.BlockSpec((1, 1, NREP, NB), lambda kvh, qn: (qn, kvh, 0, 0)),
        ],
        out_specs=pl.BlockSpec((B, NREP * D), lambda kvh, qn: (qn, kvh)),
        out_shape=jax.ShapeDtypeStruct((T, H * D), jnp.float32),
        compiler_params=pltpu.CompilerParams(
            dimension_semantics=("arbitrary", "arbitrary")),
    )(qh, kh, vh, bias)
    return out

# --- scband reference (transcript-rebuilt; emitter-appended) ---
"""Pipeline reference for scband-tasftv-llmattention-backend-16595753631791 (READ-ONLY COPY).

The authoritative reference and input builder live on the scoring server;
editing this copy changes nothing except your own understanding.
"""

import jax, jax.numpy as jnp
import numpy as np

NUM_HEADS = 32
NUM_KV_HEADS = 8
HEAD_DIM = 128
BLOCK = 128
TAU = 0.5
GATE_DIM = 64


def setup_inputs(seed: int = 0) -> dict:
    key = jax.random.key(seed)
    ks = jax.random.split(key, 5)
    T = 2048
    query = jax.random.normal(ks[0], (T, NUM_HEADS * HEAD_DIM), dtype=jnp.float32)
    key_t = jax.random.normal(ks[1], (T, NUM_KV_HEADS * HEAD_DIM), dtype=jnp.float32)
    value = jax.random.normal(ks[2], (T, NUM_KV_HEADS * HEAD_DIM), dtype=jnp.float32)
    # AttnGate learned projections (block-pooled q/k -> gate scores)
    Wq_g = jax.random.normal(ks[3], (HEAD_DIM, GATE_DIM), dtype=jnp.float32) / np.sqrt(HEAD_DIM)
    Wk_g = jax.random.normal(ks[4], (HEAD_DIM, GATE_DIM), dtype=jnp.float32) / np.sqrt(HEAD_DIM)
    return {"query": query, "key": key_t, "value": value, "Wq_g": Wq_g, "Wk_g": Wk_g}


def reference(query, key, value, Wq_g, Wk_g):
    T = query.shape[0]
    H, KVH, D, B = NUM_HEADS, NUM_KV_HEADS, HEAD_DIM, BLOCK
    # reshape flat vLLM tokens -> [1, H, T, D]
    q = query.reshape(1, T, H, D).transpose(0, 2, 1, 3)
    k = key.reshape(1, T, KVH, D).transpose(0, 2, 1, 3)
    v = value.reshape(1, T, KVH, D).transpose(0, 2, 1, 3)
    # GQA: repeat_interleave kv heads
    n_rep = H // KVH
    k = jnp.repeat(k, n_rep, axis=1)
    v = jnp.repeat(v, n_rep, axis=1)
    # --- AttnGate: block-pooled gate scores -> hard block mask ---
    nb = T // B
    qb = q.reshape(1, H, nb, B, D).mean(axis=3)  # [1,H,nb,D]
    kb = k.reshape(1, H, nb, B, D).mean(axis=3)
    gq = jnp.einsum('bhnd,dg->bhng', qb, Wq_g)
    gk = jnp.einsum('bhnd,dg->bhng', kb, Wk_g)
    gate_scores = jax.nn.sigmoid(jnp.einsum('bhng,bhmg->bhnm', gq, gk) / jnp.sqrt(GATE_DIM))
    hard_mask = gate_scores > TAU  # [1,H,nb,nb]
    # local (diagonal) blocks always attended, as in TASFT gate
    hard_mask = hard_mask | jnp.eye(nb, dtype=bool)[None, None, :, :]
    # expand block mask to token level
    tok_mask = jnp.repeat(jnp.repeat(hard_mask, B, axis=2), B, axis=3)  # [1,H,T,T]
    causal = jnp.tril(jnp.ones((T, T), dtype=bool))[None, None, :, :]
    full_mask = tok_mask & causal
    # --- BlockSparseFlashAttention (reference semantics: masked softmax attention) ---
    scale = 1.0 / np.sqrt(D)
    attn = jnp.einsum('bhqd,bhkd->bhqk', q, k) * scale
    attn = jnp.where(full_mask, attn, -1e9)
    attn = jax.nn.softmax(attn.astype(jnp.float32), axis=-1).astype(v.dtype)
    out = jnp.einsum('bhqk,bhkd->bhqd', attn, v)  # [1,H,T,D]
    out = out.transpose(0, 2, 1, 3).reshape(T, H * D)
    return out

if __name__ == "__main__":
    import jax
    _d = setup_inputs()
    print(jax.jit(kernel)(*tuple(_d.values())))

</pallas_src>

<mosaic_0001>
module attributes {stable_mosaic.version = 14 : i64} {
  func.func @_gate_kernel(%arg0: memref<32x16x128xf32, #tpu.memory_space<vmem>>, %arg1: memref<32x16x128xf32, #tpu.memory_space<vmem>>, %arg2: memref<128x64xf32, #tpu.memory_space<vmem>>, %arg3: memref<128x64xf32, #tpu.memory_space<vmem>>, %arg4: memref<16x8x4x16xf32, #tpu.memory_space<vmem>>) attributes {dimension_semantics = [], scalar_prefetch = 0 : i64, scratch_operands = 0 : i64, tpu.core_type = #tpu.core_type<tc>} {
    %iota3A = tpu.iota {dimensions = array<i32: 0>} : vector<16x16xi32>
    %iota3A_0 = tpu.iota {dimensions = array<i32: 1>} : vector<16x16xi32>
    %eq3A = arith.cmpi eq, %iota3A, %iota3A_0 : vector<16x16xi32>
    %get3A = arith.constant 0 : index
    %get3A_1 = arith.constant 0 : index
    %get3A_2 = vector.load %arg2[%get3A, %get3A_1] : memref<128x64xf32, #tpu.memory_space<vmem>>, vector<128x64xf32>
    %convert_element_type3A = arith.truncf %get3A_2 : vector<128x64xf32> to vector<128x64xbf16>
    %get3A_3 = arith.constant 0 : index
    %get3A_4 = arith.constant 0 : index
    %get3A_5 = vector.load %arg3[%get3A_3, %get3A_4] : memref<128x64xf32, #tpu.memory_space<vmem>>, vector<128x64xf32>
    %convert_element_type3A_6 = arith.truncf %get3A_5 : vector<128x64xf32> to vector<128x64xbf16>
    %get3A_7 = arith.constant 0 : index
    %get3A_8 = arith.constant 0 : index
    %get3A_9 = arith.constant 0 : index
    %get3A_10 = vector.load %arg0[%get3A_7, %get3A_8, %get3A_9] : memref<32x16x128xf32, #tpu.memory_space<vmem>>, vector<1x16x128xf32>
    %get3A_11 = vector.shape_cast %get3A_10 : vector<1x16x128xf32> to vector<16x128xf32>
    %convert_element_type3A_12 = arith.truncf %get3A_11 : vector<16x128xf32> to vector<16x128xbf16>
    %dot_general3A = arith.constant dense<0.000000e+00> : vector<16x64xf32>
    %dot_general3A_13 = tpu.matmul %convert_element_type3A_12, %convert_element_type3A, %dot_general3A {dimension_numbers = #tpu.dot_dimension_numbers<[1], [0], [0], [1], [0, 0, 1, 1], [], []>, transpose_lhs_hint = false} : vector<16x128xbf16>, vector<128x64xbf16>, vector<16x64xf32> -> vector<16x64xf32>
    %get3A_14 = arith.constant 0 : index
    %get3A_15 = arith.constant 0 : index
    %get3A_16 = arith.constant 0 : index
    %get3A_17 = vector.load %arg1[%get3A_14, %get3A_15, %get3A_16] : memref<32x16x128xf32, #tpu.memory_space<vmem>>, vector<1x16x128xf32>
    %get3A_18 = vector.shape_cast %get3A_17 : vector<1x16x128xf32> to vector<16x128xf32>
    %convert_element_type3A_19 = arith.truncf %get3A_18 : vector<16x128xf32> to vector<16x128xbf16>
    %dot_general3A_20 = arith.constant dense<0.000000e+00> : vector<16x64xf32>
    %dot_general3A_21 = tpu.matmul %convert_element_type3A_19, %convert_element_type3A_6, %dot_general3A_20 {dimension_numbers = #tpu.dot_dimension_numbers<[1], [0], [0], [1], [0, 0, 1, 1], [], []>, transpose_lhs_hint = false} : vector<16x128xbf16>, vector<128x64xbf16>, vector<16x64xf32> -> vector<16x64xf32>
    %convert_element_type3A_22 = arith.truncf %dot_general3A_13 : vector<16x64xf32> to vector<16x64xbf16>
    %convert_element_type3A_23 = arith.truncf %dot_general3A_21 : vector<16x64xf32> to vector<16x64xbf16>
    %dot_general3A_24 = arith.constant dense<0.000000e+00> : vector<16x16xf32>
    %dot_general3A_25 = tpu.matmul %convert_element_type3A_22, %convert_element_type3A_23, %dot_general3A_24 {dimension_numbers = #tpu.dot_dimension_numbers<[1], [1], [0], [0], [0, 0, 1, 0], [], []>, transpose_lhs_hint = false} : vector<16x64xbf16>, vector<16x64xbf16>, vector<16x16xf32> -> vector<16x16xf32>
    %mul3A = arith.constant 1.250000e-01 : f32
    %mul3A_26 = vector.broadcast %mul3A : f32 to vector<16x16xf32>
    %mul3A_27 = arith.mulf %dot_general3A_25, %mul3A_26 : vector<16x16xf32>
    %logistic3A = arith.negf %mul3A_27 : vector<16x16xf32>
    %logistic3A_28 = math.exp %logistic3A : vector<16x16xf32>
    %logistic3A_29 = arith.constant 1.000000e+00 : f32
    %logistic3A_30 = vector.broadcast %logistic3A_29 : f32 to vector<16x16xf32>
    %logistic3A_31 = arith.addf %logistic3A_30, %logistic3A_28 : vector<16x16xf32>
    %logistic3A_32 = arith.divf %logistic3A_30, %logistic3A_31 : vector<16x16xf32>
    %gt3A = arith.constant 5.000000e-01 : f32
    %gt3A_33 = vector.broadcast %gt3A : f32 to vector<16x16xf32>
    %gt3A_34 = arith.cmpf ogt, %logistic3A_32, %gt3A_33 : vector<16x16xf32>
    %or3A = arith.ori %gt3A_34, %eq3A : vector<16x16xi1>
    %jit3A = arith.constant 0.000000e+00 : f32
    %jit3A_35 = arith.constant -1.000000e+30 : f32
    %broadcast_in_dim3A = vector.broadcast %jit3A : f32 to vector<16x16xf32>
    %broadcast_in_dim3A_36 = vector.broadcast %jit3A_35 : f32 to vector<16x16xf32>
    %select_n3A = arith.select %or3A, %broadcast_in_dim3A, %broadcast_in_dim3A_36 : vector<16x16xi1>, vector<16x16xf32>
    %swap3A = arith.constant 0 : index
    %swap3A_37 = arith.constant 0 : index
    %swap3A_38 = arith.constant 0 : index
    %swap3A_39 = arith.constant 0 : index
    %swap3A_40 = vector.load %arg4[%swap3A, %swap3A_37, %swap3A_38, %swap3A_39] : memref<16x8x4x16xf32, #tpu.memory_space<vmem>>, vector<16x1x1x16xf32>
    %swap3A_41 = vector.shape_cast %swap3A_40 : vector<16x1x1x16xf32> to vector<16x16xf32>
    %swap3A_42 = vector.shape_cast %select_n3A : vector<16x16xf32> to vector<16x1x1x16xf32>
    tpu.vector_store %arg4[%swap3A, %swap3A_37, %swap3A_38, %swap3A_39], %swap3A_42 {strides = array<i32>} : memref<16x8x4x16xf32, #tpu.memory_space<vmem>>, vector<16x1x1x16xf32>,
    %get3A_43 = arith.constant 1 : index
    %get3A_44 = arith.constant 0 : index
    %get3A_45 = arith.constant 0 : index
    %get3A_46 = vector.load %arg0[%get3A_43, %get3A_44, %get3A_45] : memref<32x16x128xf32, #tpu.memory_space<vmem>>, vector<1x16x128xf32>
    %get3A_47 = vector.shape_cast %get3A_46 : vector<1x16x128xf32> to vector<16x128xf32>
    %convert_element_type3A_48 = arith.truncf %get3A_47 : vector<16x128xf32> to vector<16x128xbf16>
    %dot_general3A_49 = arith.constant dense<0.000000e+00> : vector<16x64xf32>
    %dot_general3A_50 = tpu.matmul %convert_element_type3A_48, %convert_element_type3A, %dot_general3A_49 {dimension_numbers = #tpu.dot_dimension_numbers<[1], [0], [0], [1], [0, 0, 1, 1], [], []>, transpose_lhs_hint = false} : vector<16x128xbf16>, vector<128x64xbf16>, vector<16x64xf32> -> vector<16x64xf32>
    %get3A_51 = arith.constant 1 : index
    %get3A_52 = arith.constant 0 : index
    %get3A_53 = arith.constant 0 : index
    %get3A_54 = vector.load %arg1[%get3A_51, %get3A_52, %get3A_53] : memref<32x16x128xf32, #tpu.memory_space<vmem>>, vector<1x16x128xf32>
    %get3A_55 = vector.shape_cast %get3A_54 : vector<1x16x128xf32> to vector<16x128xf32>
    %convert_element_type3A_56 = arith.truncf %get3A_55 : vector<16x128xf32> to vector<16x128xbf16>
    %dot_general3A_57 = arith.constant dense<0.000000e+00> : vector<16x64xf32>
    %dot_general3A_58 = tpu.matmul %convert_element_type3A_56, %convert_element_type3A_6, %dot_general3A_57 {dimension_numbers = #tpu.dot_dimension_numbers<[1], [0], [0], [1], [0, 0, 1, 1], [], []>, transpose_lhs_hint = false} : vector<16x128xbf16>, vector<128x64xbf16>, vector<16x64xf32> -> vector<16x64xf32>
    %convert_element_type3A_59 = arith.truncf %dot_general3A_50 : vector<16x64xf32> to vector<16x64xbf16>
    %convert_element_type3A_60 = arith.truncf %dot_general3A_58 : vector<16x64xf32> to vector<16x64xbf16>
    %dot_general3A_61 = arith.constant dense<0.000000e+00> : vector<16x16xf32>
    %dot_general3A_62 = tpu.matmul %convert_element_type3A_59, %convert_element_type3A_60, %dot_general3A_61 {dimension_numbers = #tpu.dot_dimension_numbers<[1], [1], [0], [0], [0, 0, 1, 0], [], []>, transpose_lhs_hint = false} : vector<16x64xbf16>, vector<16x64xbf16>, vector<16x16xf32> -> vector<16x16xf32>
    %mul3A_63 = arith.constant 1.250000e-01 : f32
    %mul3A_64 = vector.broadcast %mul3A_63 : f32 to vector<16x16xf32>
    %mul3A_65 = arith.mulf %dot_general3A_62, %mul3A_64 : vector<16x16xf32>
    %logistic3A_66 = arith.negf %mul3A_65 : vector<16x16xf32>
    %logistic3A_67 = math.exp %logistic3A_66 : vector<16x16xf32>
    %logistic3A_68 = arith.constant 1.000000e+00 : f32
    %logistic3A_69 = vector.broadcast %logistic3A_68 : f32 to vector<16x16xf32>
    %logistic3A_70 = arith.addf %logistic3A_69, %logistic3A_67 : vector<16x16xf32>
    %logistic3A_71 = arith.divf %logistic3A_69, %logistic3A_70 : vector<16x16xf32>
    %gt3A_72 = arith.constant 5.000000e-01 : f32
    %gt3A_73 = vector.broadcast %gt3A_72 : f32 to vector<16x16xf32>
    %gt3A_74 = arith.cmpf ogt, %logistic3A_71, %gt3A_73 : vector<16x16xf32>
    %or3A_75 = arith.ori %gt3A_74, %eq3A : vector<16x16xi1>
    %jit3A_76 = arith.constant 0.000000e+00 : f32
    %jit3A_77 = arith.constant -1.000000e+30 : f32
    %broadcast_in_dim3A_78 = vector.broadcast %jit3A_76 : f32 to vector<16x16xf32>
    %broadcast_in_dim3A_79 = vector.broadcast %jit3A_77 : f32 to vector<16x16xf32>
    %select_n3A_80 = arith.select %or3A_75, %broadcast_in_dim3A_78, %broadcast_in_dim3A_79 : vector<16x16xi1>, vector<16x16xf32>
    %swap3A_81 = arith.constant 0 : index
    %swap3A_82 = arith.constant 0 : index
    %swap3A_83 = arith.constant 1 : index
    %swap3A_84 = arith.constant 0 : index
    %swap3A_85 = vector.load %arg4[%swap3A_81, %swap3A_82, %swap3A_83, %swap3A_84] : memref<16x8x4x16xf32, #tpu.memory_space<vmem>>, vector<16x1x1x16xf32>
    %swap3A_86 = vector.shape_cast %swap3A_85 : vector<16x1x1x16xf32> to vector<16x16xf32>
    %swap3A_87 = vector.shape_cast %select_n3A_80 : vector<16x16xf32> to vector<16x1x1x16xf32>
    tpu.vector_store %arg4[%swap3A_81, %swap3A_82, %swap3A_83, %swap3A_84], %swap3A_87 {strides = array<i32>} : memref<16x8x4x16xf32, #tpu.memory_space<vmem>>, vector<16x1x1x16xf32>,
    %get3A_88 = arith.constant 2 : index
    %get3A_89 = arith.constant 0 : index
    %get3A_90 = arith.constant 0 : index
    %get3A_91 = vector.load %arg0[%get3A_88, %get3A_89, %get3A_90] : memref<32x16x128xf32, #tpu.memory_space<vmem>>, vector<1x16x128xf32>
    %get3A_92 = vector.shape_cast %get3A_91 : vector<1x16x128xf32> to vector<16x128xf32>
    %convert_element_type3A_93 = arith.truncf %get3A_92 : vector<16x128xf32> to vector<16x128xbf16>
    %dot_general3A_94 = arith.constant dense<0.000000e+00> : vector<16x64xf32>
    %dot_general3A_95 = tpu.matmul %convert_element_type3A_93, %convert_element_type3A, %dot_general3A_94 {dimension_numbers = #tpu.dot_dimension_numbers<[1], [0], [0], [1], [0, 0, 1, 1], [], []>, transpose_lhs_hint = false} : vector<16x128xbf16>, vector<128x64xbf16>, vector<16x64xf32> -> vector<16x64xf32>
    %get3A_96 = arith.constant 2 : index
    %get3A_97 = arith.constant 0 : index
    %get3A_98 = arith.constant 0 : index
    %get3A_99 = vector.load %arg1[%get3A_96, %get3A_97, %get3A_98] : memref<32x16x128xf32, #tpu.memory_space<vmem>>, vector<1x16x128xf32>
    %get3A_100 = vector.shape_cast %get3A_99 : vector<1x16x128xf32> to vector<16x128xf32>
    %convert_element_type3A_101 = arith.truncf %get3A_100 : vector<16x128xf32> to vector<16x128xbf16>
    %dot_general3A_102 = arith.constant dense<0.000000e+00> : vector<16x64xf32>
    %dot_general3A_103 = tpu.matmul %convert_element_type3A_101, %convert_element_type3A_6, %dot_general3A_102 {dimension_numbers = #tpu.dot_dimension_numbers<[1], [0], [0], [1], [0, 0, 1, 1], [], []>, transpose_lhs_hint = false} : vector<16x128xbf16>, vector<128x64xbf16>, vector<16x64xf32> -> vector<16x64xf32>
    %convert_element_type3A_104 = arith.truncf %dot_general3A_95 : vector<16x64xf32> to vector<16x64xbf16>
    %convert_element_type3A_105 = arith.truncf %dot_general3A_103 : vector<16x64xf32> to vector<16x64xbf16>
    %dot_general3A_106 = arith.constant dense<0.000000e+00> : vector<16x16xf32>
    %dot_general3A_107 = tpu.matmul %convert_element_type3A_104, %convert_element_type3A_105, %dot_general3A_106 {dimension_numbers = #tpu.dot_dimension_numbers<[1], [1], [0], [0], [0, 0, 1, 0], [], []>, transpose_lhs_hint = false} : vector<16x64xbf16>, vector<16x64xbf16>, vector<16x16xf32> -> vector<16x16xf32>
    %mul3A_108 = arith.constant 1.250000e-01 : f32
    %mul3A_109 = vector.broadcast %mul3A_108 : f32 to vector<16x16xf32>
    %mul3A_110 = arith.mulf %dot_general3A_107, %mul3A_109 : vector<16x16xf32>
    %logistic3A_111 = arith.negf %mul3A_110 : vector<16x16xf32>
    %logistic3A_112 = math.exp %logistic3A_111 : vector<16x16xf32>
    %logistic3A_113 = arith.constant 1.000000e+00 : f32
    %logistic3A_114 = vector.broadcast %logistic3A_113 : f32 to vector<16x16xf32>
    %logistic3A_115 = arith.addf %logistic3A_114, %logistic3A_112 : vector<16x16xf32>
    %logistic3A_116 = arith.divf %logistic3A_114, %logistic3A_115 : vector<16x16xf32>
    %gt3A_117 = arith.constant 5.000000e-01 : f32
    %gt3A_118 = vector.broadcast %gt3A_117 : f32 to vector<16x16xf32>
    %gt3A_119 = arith.cmpf ogt, %logistic3A_116, %gt3A_118 : vector<16x16xf32>
    %or3A_120 = arith.ori %gt3A_119, %eq3A : vector<16x16xi1>
    %jit3A_121 = arith.constant 0.000000e+00 : f32
    %jit3A_122 = arith.constant -1.000000e+30 : f32
    %broadcast_in_dim3A_123 = vector.broadcast %jit3A_121 : f32 to vector<16x16xf32>
    %broadcast_in_dim3A_124 = vector.broadcast %jit3A_122 : f32 to vector<16x16xf32>
    %select_n3A_125 = arith.select %or3A_120, %broadcast_in_dim3A_123, %broadcast_in_dim3A_124 : vector<16x16xi1>, vector<16x16xf32>
    %swap3A_126 = arith.constant 0 : index
    %swap3A_127 = arith.constant 0 : index
    %swap3A_128 = arith.constant 2 : index
    %swap3A_129 = arith.constant 0 : index
    %swap3A_130 = vector.load %arg4[%swap3A_126, %swap3A_127, %swap3A_128, %swap3A_129] : memref<16x8x4x16xf32, #tpu.memory_space<vmem>>, vector<16x1x1x16xf32>
    %swap3A_131 = vector.shape_cast %swap3A_130 : vector<16x1x1x16xf32> to vector<16x16xf32>
    %swap3A_132 = vector.shape_cast %select_n3A_125 : vector<16x16xf32> to vector<16x1x1x16xf32>
    tpu.vector_store %arg4[%swap3A_126, %swap3A_127, %swap3A_128, %swap3A_129], %swap3A_132 {strides = array<i32>} : memref<16x8x4x16xf32, #tpu.memory_space<vmem>>, vector<16x1x1x16xf32>,
    %get3A_133 = arith.constant 3 : index
    %get3A_134 = arith.constant 0 : index
    %get3A_135 = arith.constant 0 : index
    %get3A_136 = vector.load %arg0[%get3A_133, %get3A_134, %get3A_135] : memref<32x16x128xf32, #tpu.memory_space<vmem>>, vector<1x16x128xf32>
    %get3A_137 = vector.shape_cast %get3A_136 : vector<1x16x128xf32> to vector<16x128xf32>
    %convert_element_type3A_138 = arith.truncf %get3A_137 : vector<16x128xf32> to vector<16x128xbf16>
    %dot_general3A_139 = arith.constant dense<0.000000e+00> : vector<16x64xf32>
    %dot_general3A_140 = tpu.matmul %convert_element_type3A_138, %convert_element_type3A, %dot_general3A_139 {dimension_numbers = #tpu.dot_dimension_numbers<[1], [0], [0], [1], [0, 0, 1, 1], [], []>, transpose_lhs_hint = false} : vector<16x128xbf16>, vector<128x64xbf16>, vector<16x64xf32> -> vector<16x64xf32>
    %get3A_141 = arith.constant 3 : index
    %get3A_142 = arith.constant 0 : index
    %get3A_143 = arith.constant 0 : index
    %get3A_144 = vector.load %arg1[%get3A_141, %get3A_142, %get3A_143] : memref<32x16x128xf32, #tpu.memory_space<vmem>>, vector<1x16x128xf32>
    %get3A_145 = vector.shape_cast %get3A_144 : vector<1x16x128xf32> to vector<16x128xf32>
    %convert_element_type3A_146 = arith.truncf %get3A_145 : vector<16x128xf32> to vector<16x128xbf16>
    %dot_general3A_147 = arith.constant dense<0.000000e+00> : vector<16x64xf32>
    %dot_general3A_148 = tpu.matmul %convert_element_type3A_146, %convert_element_type3A_6, %dot_general3A_147 {dimension_numbers = #tpu.dot_dimension_numbers<[1], [0], [0], [1], [0, 0, 1, 1], [], []>, transpose_lhs_hint = false} : vector<16x128xbf16>, vector<128x64xbf16>, vector<16x64xf32> -> vector<16x64xf32>
    %convert_element_type3A_149 = arith.truncf %dot_general3A_140 : vector<16x64xf32> to vector<16x64xbf16>
    %convert_element_type3A_150 = arith.truncf %dot_general3A_148 : vector<16x64xf32> to vector<16x64xbf16>
    %dot_general3A_151 = arith.constant dense<0.000000e+00> : vector<16x16xf32>
    %dot_general3A_152 = tpu.matmul %convert_element_type3A_149, %convert_element_type3A_150, %dot_general3A_151 {dimension_numbers = #tpu.dot_dimension_numbers<[1], [1], [0], [0], [0, 0, 1, 0], [], []>, transpose_lhs_hint = false} : vector<16x64xbf16>, vector<16x64xbf16>, vector<16x16xf32> -> vector<16x16xf32>
    %mul3A_153 = arith.constant 1.250000e-01 : f32
    %mul3A_154 = vector.broadcast %mul3A_153 : f32 to vector<16x16xf32>
    %mul3A_155 = arith.mulf %dot_general3A_152, %mul3A_154 : vector<16x16xf32>
    %logistic3A_156 = arith.negf %mul3A_155 : vector<16x16xf32>
    %logistic3A_157 = math.exp %logistic3A_156 : vector<16x16xf32>
    %logistic3A_158 = arith.constant 1.000000e+00 : f32
    %logistic3A_159 = vector.broadcast %logistic3A_158 : f32 to vector<16x16xf32>
    %logistic3A_160 = arith.addf %logistic3A_159, %logistic3A_157 : vector<16x16xf32>
    %logistic3A_161 = arith.divf %logistic3A_159, %logistic3A_160 : vector<16x16xf32>
    %gt3A_162 = arith.constant 5.000000e-01 : f32
    %gt3A_163 = vector.broadcast %gt3A_162 : f32 to vector<16x16xf32>
    %gt3A_164 = arith.cmpf ogt, %logistic3A_161, %gt3A_163 : vector<16x16xf32>
    %or3A_165 = arith.ori %gt3A_164, %eq3A : vector<16x16xi1>
    %jit3A_166 = arith.constant 0.000000e+00 : f32
    %jit3A_167 = arith.constant -1.000000e+30 : f32
    %broadcast_in_dim3A_168 = vector.broadcast %jit3A_166 : f32 to vector<16x16xf32>
    %broadcast_in_dim3A_169 = vector.broadcast %jit3A_167 : f32 to vector<16x16xf32>
    %select_n3A_170 = arith.select %or3A_165, %broadcast_in_dim3A_168, %broadcast_in_dim3A_169 : vector<16x16xi1>, vector<16x16xf32>
    %swap3A_171 = arith.constant 0 : index
    %swap3A_172 = arith.constant 0 : index
    %swap3A_173 = arith.constant 3 : index
    %swap3A_174 = arith.constant 0 : index
    %swap3A_175 = vector.load %arg4[%swap3A_171, %swap3A_172, %swap3A_173, %swap3A_174] : memref<16x8x4x16xf32, #tpu.memory_space<vmem>>, vector<16x1x1x16xf32>
    %swap3A_176 = vector.shape_cast %swap3A_175 : vector<16x1x1x16xf32> to vector<16x16xf32>
    %swap3A_177 = vector.shape_cast %select_n3A_170 : vector<16x16xf32> to vector<16x1x1x16xf32>
    tpu.vector_store %arg4[%swap3A_171, %swap3A_172, %swap3A_173, %swap3A_174], %swap3A_177 {strides = array<i32>} : memref<16x8x4x16xf32, #tpu.memory_space<vmem>>, vector<16x1x1x16xf32>,
    %get3A_178 = arith.constant 4 : index
    %get3A_179 = arith.constant 0 : index
    %get3A_180 = arith.constant 0 : index
    %get3A_181 = vector.load %arg0[%get3A_178, %get3A_179, %get3A_180] : memref<32x16x128xf32, #tpu.memory_space<vmem>>, vector<1x16x128xf32>
    %get3A_182 = vector.shape_cast %get3A_181 : vector<1x16x128xf32> to vector<16x128xf32>
    %convert_element_type3A_183 = arith.truncf %get3A_182 : vector<16x128xf32> to vector<16x128xbf16>
    %dot_general3A_184 = arith.constant dense<0.000000e+00> : vector<16x64xf32>
    %dot_general3A_185 = tpu.matmul %convert_element_type3A_183, %convert_element_type3A, %dot_general3A_184 {dimension_numbers = #tpu.dot_dimension_numbers<[1], [0], [0], [1], [0, 0, 1, 1], [], []>, transpose_lhs_hint = false} : vector<16x128xbf16>, vector<128x64xbf16>, vector<16x64xf32> -> vector<16x64xf32>
    %get3A_186 = arith.constant 4 : index
    %get3A_187 = arith.constant 0 : index
    %get3A_188 = arith.constant 0 : index
    %get3A_189 = vector.load %arg1[%get3A_186, %get3A_187, %get3A_188] : memref<32x16x128xf32, #tpu.memory_space<vmem>>, vector<1x16x128xf32>
    %get3A_190 = vector.shape_cast %get3A_189 : vector<1x16x128xf32> to vector<16x128xf32>
    %convert_element_type3A_191 = arith.truncf %get3A_190 : vector<16x128xf32> to vector<16x128xbf16>
    %dot_general3A_192 = arith.constant dense<0.000000e+00> : vector<16x64xf32>
    %dot_general3A_193 = tpu.matmul %convert_element_type3A_191, %convert_element_type3A_6, %dot_general3A_192 {dimension_numbers = #tpu.dot_dimension_numbers<[1], [0], [0], [1], [0, 0, 1, 1], [], []>, transpose_lhs_hint = false} : vector<16x128xbf16>, vector<128x64xbf16>, vector<16x64xf32> -> vector<16x64xf32>
    %convert_element_type3A_194 = arith.truncf %dot_general3A_185 : vector<16x64xf32> to vector<16x64xbf16>
    %convert_element_type3A_195 = arith.truncf %dot_general3A_193 : vector<16x64xf32> to vector<16x64xbf16>
    %dot_general3A_196 = arith.constant dense<0.000000e+00> : vector<16x16xf32>
    %dot_general3A_197 = tpu.matmul %convert_element_type3A_194, %convert_element_type3A_195, %dot_general3A_196 {dimension_numbers = #tpu.dot_dimension_numbers<[1], [1], [0], [0], [0, 0, 1, 0], [], []>, transpose_lhs_hint = false} : vector<16x64xbf16>, vector<16x64xbf16>, vector<16x16xf32> -> vector<16x16xf32>
    %mul3A_198 = arith.constant 1.250000e-01 : f32
    %mul3A_199 = vector.broadcast %mul3A_198 : f32 to vector<16x16xf32>
    %mul3A_200 = arith.mulf %dot_general3A_197, %mul3A_199 : vector<16x16xf32>
    %logistic3A_201 = arith.negf %mul3A_200 : vector<16x16xf32>
    %logistic3A_202 = math.exp %logistic3A_201 : vector<16x16xf32>
    %logistic3A_203 = arith.constant 1.000000e+00 : f32
    %logistic3A_204 = vector.broadcast %logistic3A_203 : f32 to vector<16x16xf32>
    %logistic3A_205 = arith.addf %logistic3A_204, %logistic3A_202 : vector<16x16xf32>
    %logistic3A_206 = arith.divf %logistic3A_204, %logistic3A_205 : vector<16x16xf32>
    %gt3A_207 = arith.constant 5.000000e-01 : f32
    %gt3A_208 = vector.broadcast %gt3A_207 : f32 to vector<16x16xf32>
    %gt3A_209 = arith.cmpf ogt, %logistic3A_206, %gt3A_208 : vector<16x16xf32>
    %or3A_210 = arith.ori %gt3A_209, %eq3A : vector<16x16xi1>
    %jit3A_211 = arith.constant 0.000000e+00 : f32
    %jit3A_212 = arith.constant -1.000000e+30 : f32
    %broadcast_in_dim3A_213 = vector.broadcast %jit3A_211 : f32 to vector<16x16xf32>
    %broadcast_in_dim3A_214 = vector.broadcast %jit3A_212 : f32 to vector<16x16xf32>
    %select_n3A_215 = arith.select %or3A_210, %broadcast_in_dim3A_213, %broadcast_in_dim3A_214 : vector<16x16xi1>, vector<16x16xf32>
    %swap3A_216 = arith.constant 0 : index
    %swap3A_217 = arith.constant 1 : index
    %swap3A_218 = arith.constant 0 : index
    %swap3A_219 = arith.constant 0 : index
    %swap3A_220 = vector.load %arg4[%swap3A_216, %swap3A_217, %swap3A_218, %swap3A_219] : memref<16x8x4x16xf32, #tpu.memory_space<vmem>>, vector<16x1x1x16xf32>
    %swap3A_221 = vector.shape_cast %swap3A_220 : vector<16x1x1x16xf32> to vector<16x16xf32>
    %swap3A_222 = vector.shape_cast %select_n3A_215 : vector<16x16xf32> to vector<16x1x1x16xf32>
    tpu.vector_store %arg4[%swap3A_216, %swap3A_217, %swap3A_218, %swap3A_219], %swap3A_222 {strides = array<i32>} : memref<16x8x4x16xf32, #tpu.memory_space<vmem>>, vector<16x1x1x16xf32>,
    %get3A_223 = arith.constant 5 : index
    %get3A_224 = arith.constant 0 : index
    %get3A_225 = arith.constant 0 : index
    %get3A_226 = vector.load %arg0[%get3A_223, %get3A_224, %get3A_225] : memref<32x16x128xf32, #tpu.memory_space<vmem>>, vector<1x16x128xf32>
    %get3A_227 = vector.shape_cast %get3A_226 : vector<1x16x128xf32> to vector<16x128xf32>
    %convert_element_type3A_228 = arith.truncf %get3A_227 : vector<16x128xf32> to vector<16x128xbf16>
    %dot_general3A_229 = arith.constant dense<0.000000e+00> : vector<16x64xf32>
    %dot_general3A_230 = tpu.matmul %convert_element_type3A_228, %convert_element_type3A, %dot_general3A_229 {dimension_numbers = #tpu.dot_dimension_numbers<[1], [0], [0], [1], [0, 0, 1, 1], [], []>, transpose_lhs_hint = false} : vector<16x128xbf16>, vector<128x64xbf16>, vector<16x64xf32> -> vector<16x64xf32>
    %get3A_231 = arith.constant 5 : index
    %get3A_232 = arith.constant 0 : index
    %get3A_233 = arith.constant 0 : index
    %get3A_234 = vector.load %arg1[%get3A_231, %get3A_232, %get3A_233] : memref<32x16x128xf32, #tpu.memory_space<vmem>>, vector<1x16x128xf32>
    %get3A_235 = vector.shape_cast %get3A_234 : vector<1x16x128xf32> to vector<16x128xf32>
    %convert_element_type3A_236 = arith.truncf %get3A_235 : vector<16x128xf32> to vector<16x128xbf16>
    %dot_general3A_237 = arith.constant dense<0.000000e+00> : vector<16x64xf32>
    %dot_general3A_238 = tpu.matmul %convert_element_type3A_236, %convert_element_type3A_6, %dot_general3A_237 {dimension_numbers = #tpu.dot_dimension_numbers<[1], [0], [0], [1], [0, 0, 1, 1], [], []>, transpose_lhs_hint = false} : vector<16x128xbf16>, vector<128x64xbf16>, vector<16x64xf32> -> vector<16x64xf32>
    %convert_element_type3A_239 = arith.truncf %dot_general3A_230 : vector<16x64xf32> to vector<16x64xbf16>
    %convert_element_type3A_240 = arith.truncf %dot_general3A_238 : vector<16x64xf32> to vector<16x64xbf16>
    %dot_general3A_241 = arith.constant dense<0.000000e+00> : vector<16x16xf32>
    %dot_general3A_242 = tpu.matmul %convert_element_type3A_239, %convert_element_type3A_240, %dot_general3A_241 {dimension_numbers = #tpu.dot_dimension_numbers<[1], [1], [0], [0], [0, 0, 1, 0], [], []>, transpose_lhs_hint = false} : vector<16x64xbf16>, vector<16x64xbf16>, vector<16x16xf32> -> vector<16x16xf32>
    %mul3A_243 = arith.constant 1.250000e-01 : f32
    %mul3A_244 = vector.broadcast %mul3A_243 : f32 to vector<16x16xf32>
    %mul3A_245 = arith.mulf %dot_general3A_242, %mul3A_244 : vector<16x16xf32>
    %logistic3A_246 = arith.negf %mul3A_245 : vector<16x16xf32>
    %logistic3A_247 = math.exp %logistic3A_246 : vector<16x16xf32>
    %logistic3A_248 = arith.constant 1.000000e+00 : f32
    %logistic3A_249 = vector.broadcast %logistic3A_248 : f32 to vector<16x16xf32>
    %logistic3A_250 = arith.addf %logistic3A_249, %logistic3A_247 : vector<16x16xf32>
    %logistic3A_251 = arith.divf %logistic3A_249, %logistic3A_250 : vector<16x16xf32>
    %gt3A_252 = arith.constant 5.000000e-01 : f32
    %gt3A_253 = vector.broadcast %gt3A_252 : f32 to vector<16x16xf32>
    %gt3A_254 = arith.cmpf ogt, %logistic3A_251, %gt3A_253 : vector<16x16xf32>
    %or3A_255 = arith.ori %gt3A_254, %eq3A : vector<16x16xi1>
    %jit3A_256 = arith.constant 0.000000e+00 : f32
    %jit3A_257 = arith.constant -1.000000e+30 : f32
    %broadcast_in_dim3A_258 = vector.broadcast %jit3A_256 : f32 to vector<16x16xf32>
    %broadcast_in_dim3A_259 = vector.broadcast %jit3A_257 : f32 to vector<16x16xf32>
    %select_n3A_260 = arith.select %or3A_255, %broadcast_in_dim3A_258, %broadcast_in_dim3A_259 : vector<16x16xi1>, vector<16x16xf32>
    %swap3A_261 = arith.constant 0 : index
    %swap3A_262 = arith.constant 1 : index
    %swap3A_263 = arith.constant 1 : index
    %swap3A_264 = arith.constant 0 : index
    %swap3A_265 = vector.load %arg4[%swap3A_261, %swap3A_262, %swap3A_263, %swap3A_264] : memref<16x8x4x16xf32, #tpu.memory_space<vmem>>, vector<16x1x1x16xf32>
    %swap3A_266 = vector.shape_cast %swap3A_265 : vector<16x1x1x16xf32> to vector<16x16xf32>
    %swap3A_267 = vector.shape_cast %select_n3A_260 : vector<16x16xf32> to vector<16x1x1x16xf32>
    tpu.vector_store %arg4[%swap3A_261, %swap3A_262, %swap3A_263, %swap3A_264], %swap3A_267 {strides = array<i32>} : memref<16x8x4x16xf32, #tpu.memory_space<vmem>>, vector<16x1x1x16xf32>,
    %get3A_268 = arith.constant 6 : index
    %get3A_269 = arith.constant 0 : index
    %get3A_270 = arith.constant 0 : index
    %get3A_271 = vector.load %arg0[%get3A_268, %get3A_269, %get3A_270] : memref<32x16x128xf32, #tpu.memory_space<vmem>>, vector<1x16x128xf32>
    %get3A_272 = vector.shape_cast %get3A_271 : vector<1x16x128xf32> to vector<16x128xf32>
    %convert_element_type3A_273 = arith.truncf %get3A_272 : vector<16x128xf32> to vector<16x128xbf16>
    %dot_general3A_274 = arith.constant dense<0.000000e+00> : vector<16x64xf32>
    %dot_general3A_275 = tpu.matmul %convert_element_type3A_273, %convert_element_type3A, %dot_general3A_274 {dimension_numbers = #tpu.dot_dimension_numbers<[1], [0], [0], [1], [0, 0, 1, 1], [], []>, transpose_lhs_hint = false} : vector<16x128xbf16>, vector<128x64xbf16>, vector<16x64xf32> -> vector<16x64xf32>
    %get3A_276 = arith.constant 6 : index
    %get3A_277 = arith.constant 0 : index
    %get3A_278 = arith.constant 0 : index
    %get3A_279 = vector.load %arg1[%get3A_276, %get3A_277, %get3A_278] : memref<32x16x128xf32, #tpu.memory_space<vmem>>, vector<1x16x128xf32>
    %get3A_280 = vector.shape_cast %get3A_279 : vector<1x16x128xf32> to vector<16x128xf32>
    %convert_element_type3A_281 = arith.truncf %get3A_280 : vector<16x128xf32> to vector<16x128xbf16>
    %dot_general3A_282 = arith.constant dense<0.000000e+00> : vector<16x64xf32>
    %dot_general3A_283 = tpu.matmul %convert_element_type3A_281, %convert_element_type3A_6, %dot_general3A_282 {dimension_numbers = #tpu.dot_dimension_numbers<[1], [0], [0], [1], [0, 0, 1, 1], [], []>, transpose_lhs_hint = false} : vector<16x128xbf16>, vector<128x64xbf16>, vector<16x64xf32> -> vector<16x64xf32>
    %convert_element_type3A_284 = arith.truncf %dot_general3A_275 : vector<16x64xf32> to vector<16x64xbf16>
    %convert_element_type3A_285 = arith.truncf %dot_general3A_283 : vector<16x64xf32> to vector<16x64xbf16>
    %dot_general3A_286 = arith.constant dense<0.000000e+00> : vector<16x16xf32>
    %dot_general3A_287 = tpu.matmul %convert_element_type3A_284, %convert_element_type3A_285, %dot_general3A_286 {dimension_numbers = #tpu.dot_dimension_numbers<[1], [1], [0], [0], [0, 0, 1, 0], [], []>, transpose_lhs_hint = false} : vector<16x64xbf16>, vector<16x64xbf16>, vector<16x16xf32> -> vector<16x16xf32>
    %mul3A_288 = arith.constant 1.250000e-01 : f32
    %mul3A_289 = vector.broadcast %mul3A_288 : f32 to vector<16x16xf32>
    %mul3A_290 = arith.mulf %dot_general3A_287, %mul3A_289 : vector<16x16xf32>
    %logistic3A_291 = arith.negf %mul3A_290 : vector<16x16xf32>
    %logistic3A_292 = math.exp %logistic3A_291 : vector<16x16xf32>
    %logistic3A_293 = arith.constant 1.000000e+00 : f32
    %logistic3A_294 = vector.broadcast %logistic3A_293 : f32 to vector<16x16xf32>
    %logistic3A_295 = arith.addf %logistic3A_294, %logistic3A_292 : vector<16x16xf32>
    %logistic3A_296 = arith.divf %logistic3A_294, %logistic3A_295 : vector<16x16xf32>
    %gt3A_297 = arith.constant 5.000000e-01 : f32
    %gt3A_298 = vector.broadcast %gt3A_297 : f32 to vector<16x16xf32>
    %gt3A_299 = arith.cmpf ogt, %logistic3A_296, %gt3A_298 : vector<16x16xf32>
    %or3A_300 = arith.ori %gt3A_299, %eq3A : vector<16x16xi1>
    %jit3A_301 = arith.constant 0.000000e+00 : f32
    %jit3A_302 = arith.constant -1.000000e+30 : f32
    %broadcast_in_dim3A_303 = vector.broadcast %jit3A_301 : f32 to vector<16x16xf32>
    %broadcast_in_dim3A_304 = vector.broadcast %jit3A_302 : f32 to vector<16x16xf32>
    %select_n3A_305 = arith.select %or3A_300, %broadcast_in_dim3A_303, %broadcast_in_dim3A_304 : vector<16x16xi1>, vector<16x16xf32>
    %swap3A_306 = arith.constant 0 : index
    %swap3A_307 = arith.constant 1 : index
    %swap3A_308 = arith.constant 2 : index
    %swap3A_309 = arith.constant 0 : index
    %swap3A_310 = vector.load %arg4[%swap3A_306, %swap3A_307, %swap3A_308, %swap3A_309] : memref<16x8x4x16xf32, #tpu.memory_space<vmem>>, vector<16x1x1x16xf32>
    %swap3A_311 = vector.shape_cast %swap3A_310 : vector<16x1x1x16xf32> to vector<16x16xf32>
    %swap3A_312 = vector.shape_cast %select_n3A_305 : vector<16x16xf32> to vector<16x1x1x16xf32>
    tpu.vector_store %arg4[%swap3A_306, %swap3A_307, %swap3A_308, %swap3A_309], %swap3A_312 {strides = array<i32>} : memref<16x8x4x16xf32, #tpu.memory_space<vmem>>, vector<16x1x1x16xf32>,
    %get3A_313 = arith.constant 7 : index
    %get3A_314 = arith.constant 0 : index
    %get3A_315 = arith.constant 0 : index
    %get3A_316 = vector.load %arg0[%get3A_313, %get3A_314, %get3A_315] : memref<32x16x128xf32, #tpu.memory_space<vmem>>, vector<1x16x128xf32>
    %get3A_317 = vector.shape_cast %get3A_316 : vector<1x16x128xf32> to vector<16x128xf32>
    %convert_element_type3A_318 = arith.truncf %get3A_317 : vector<16x128xf32> to vector<16x128xbf16>
    %dot_general3A_319 = arith.constant dense<0.000000e+00> : vector<16x64xf32>
    %dot_general3A_320 = tpu.matmul %convert_element_type3A_318, %convert_element_type3A, %dot_general3A_319 {dimension_numbers = #tpu.dot_dimension_numbers<[1], [0], [0], [1], [0, 0, 1, 1], [], []>, transpose_lhs_hint = false} : vector<16x128xbf16>, vector<128x64xbf16>, vector<16x64xf32> -> vector<16x64xf32>
    %get3A_321 = arith.constant 7 : index
    %get3A_322 = arith.constant 0 : index
    %get3A_323 = arith.constant 0 : index
    %get3A_324 = vector.load %arg1[%get3A_321, %get3A_322, %get3A_323] : memref<32x16x128xf32, #tpu.memory_space<vmem>>, vector<1x16x128xf32>
    %get3A_325 = vector.shape_cast %get3A_324 : vector<1x16x128xf32> to vector<16x128xf32>
    %convert_element_type3A_326 = arith.truncf %get3A_325 : vector<16x128xf32> to vector<16x128xbf16>
    %dot_general3A_327 = arith.constant dense<0.000000e+00> : vector<16x64xf32>
    %dot_general3A_328 = tpu.matmul %convert_element_type3A_326, %convert_element_type3A_6, %dot_general3A_327 {dimension_numbers = #tpu.dot_dimension_numbers<[1], [0], [0], [1], [0, 0, 1, 1], [], []>, transpose_lhs_hint = false} : vector<16x128xbf16>, vector<128x64xbf16>, vector<16x64xf32> -> vector<16x64xf32>
    %convert_element_type3A_329 = arith.truncf %dot_general3A_320 : vector<16x64xf32> to vector<16x64xbf16>
    %convert_element_type3A_330 = arith.truncf %dot_general3A_328 : vector<16x64xf32> to vector<16x64xbf16>
    %dot_general3A_331 = arith.constant dense<0.000000e+00> : vector<16x16xf32>
    %dot_general3A_332 = tpu.matmul %convert_element_type3A_329, %convert_element_type3A_330, %dot_general3A_331 {dimension_numbers = #tpu.dot_dimension_numbers<[1], [1], [0], [0], [0, 0, 1, 0], [], []>, transpose_lhs_hint = false} : vector<16x64xbf16>, vector<16x64xbf16>, vector<16x16xf32> -> vector<16x16xf32>
    %mul3A_333 = arith.constant 1.250000e-01 : f32
    %mul3A_334 = vector.broadcast %mul3A_333 : f32 to vector<16x16xf32>
    %mul3A_335 = arith.mulf %dot_general3A_332, %mul3A_334 : vector<16x16xf32>
    %logistic3A_336 = arith.negf %mul3A_335 : vector<16x16xf32>
    %logistic3A_337 = math.exp %logistic3A_336 : vector<16x16xf32>
    %logistic3A_338 = arith.constant 1.000000e+00 : f32
    %logistic3A_339 = vector.broadcast %logistic3A_338 : f32 to vector<16x16xf32>
    %logistic3A_340 = arith.addf %logistic3A_339, %logistic3A_337 : vector<16x16xf32>
    %logistic3A_341 = arith.divf %logistic3A_339, %logistic3A_340 : vector<16x16xf32>
    %gt3A_342 = arith.constant 5.000000e-01 : f32
    %gt3A_343 = vector.broadcast %gt3A_342 : f32 to vector<16x16xf32>
    %gt3A_344 = arith.cmpf ogt, %logistic3A_341, %gt3A_343 : vector<16x16xf32>
    %or3A_345 = arith.ori %gt3A_344, %eq3A : vector<16x16xi1>
    %jit3A_346 = arith.constant 0.000000e+00 : f32
    %jit3A_347 = arith.constant -1.000000e+30 : f32
    %broadcast_in_dim3A_348 = vector.broadcast %jit3A_346 : f32 to vector<16x16xf32>
    %broadcast_in_dim3A_349 = vector.broadcast %jit3A_347 : f32 to vector<16x16xf32>
    %select_n3A_350 = arith.select %or3A_345, %broadcast_in_dim3A_348, %broadcast_in_dim3A_349 : vector<16x16xi1>, vector<16x16xf32>
    %swap3A_351 = arith.constant 0 : index
    %swap3A_352 = arith.constant 1 : index
    %swap3A_353 = arith.constant 3 : index
    %swap3A_354 = arith.constant 0 : index
    %swap3A_355 = vector.load %arg4[%swap3A_351, %swap3A_352, %swap3A_353, %swap3A_354] : memref<16x8x4x16xf32, #tpu.memory_space<vmem>>, vector<16x1x1x16xf32>
    %swap3A_356 = vector.shape_cast %swap3A_355 : vector<16x1x1x16xf32> to vector<16x16xf32>
    %swap3A_357 = vector.shape_cast %select_n3A_350 : vector<16x16xf32> to vector<16x1x1x16xf32>
    tpu.vector_store %arg4[%swap3A_351, %swap3A_352, %swap3A_353, %swap3A_354], %swap3A_357 {strides = array<i32>} : memref<16x8x4x16xf32, #tpu.memory_space<vmem>>, vector<16x1x1x16xf32>,
    %get3A_358 = arith.constant 8 : index
    %get3A_359 = arith.constant 0 : index
    %get3A_360 = arith.constant 0 : index
    %get3A_361 = vector.load %arg0[%get3A_358, %get3A_359, %get3A_360] : memref<32x16x128xf32, #tpu.memory_space<vmem>>, vector<1x16x128xf32>
    %get3A_362 = vector.shape_cast %get3A_361 : vector<1x16x128xf32> to vector<16x128xf32>
    %convert_element_type3A_363 = arith.truncf %get3A_362 : vector<16x128xf32> to vector<16x128xbf16>
    %dot_general3A_364 = arith.constant dense<0.000000e+00> : vector<16x64xf32>
    %dot_general3A_365 = tpu.matmul %convert_element_type3A_363, %convert_element_type3A, %dot_general3A_364 {dimension_numbers = #tpu.dot_dimension_numbers<[1], [0], [0], [1], [0, 0, 1, 1], [], []>, transpose_lhs_hint = false} : vector<16x128xbf16>, vector<128x64xbf16>, vector<16x64xf32> -> vector<16x64xf32>
    %get3A_366 = arith.constant 8 : index
    %get3A_367 = arith.constant 0 : index
    %get3A_368 = arith.constant 0 : index
    %get3A_369 = vector.load %arg1[%get3A_366, %get3A_367, %get3A_368] : memref<32x16x128xf32, #tpu.memory_space<vmem>>, vector<1x16x128xf32>
    %get3A_370 = vector.shape_cast %get3A_369 : vector<1x16x128xf32> to vector<16x128xf32>
    %convert_element_type3A_371 = arith.truncf %get3A_370 : vector<16x128xf32> to vector<16x128xbf16>
    %dot_general3A_372 = arith.constant dense<0.000000e+00> : vector<16x64xf32>
    %dot_general3A_373 = tpu.matmul %convert_element_type3A_371, %convert_element_type3A_6, %dot_general3A_372 {dimension_numbers = #tpu.dot_dimension_numbers<[1], [0], [0], [1], [0, 0, 1, 1], [], []>, transpose_lhs_hint = false} : vector<16x128xbf16>, vector<128x64xbf16>, vector<16x64xf32> -> vector<16x64xf32>
    %convert_element_type3A_374 = arith.truncf %dot_general3A_365 : vector<16x64xf32> to vector<16x64xbf16>
    %convert_element_type3A_375 = arith.truncf %dot_general3A_373 : vector<16x64xf32> to vector<16x64xbf16>
    %dot_general3A_376 = arith.constant dense<0.000000e+00> : vector<16x16xf32>
    %dot_general3A_377 = tpu.matmul %convert_element_type3A_374, %convert_element_type3A_375, %dot_general3A_376 {dimension_numbers = #tpu.dot_dimension_numbers<[1], [1], [0], [0], [0, 0, 1, 0], [], []>, transpose_lhs_hint = false} : vector<16x64xbf16>, vector<16x64xbf16>, vector<16x16xf32> -> vector<16x16xf32>
    %mul3A_378 = arith.constant 1.250000e-01 : f32
    %mul3A_379 = vector.broadcast %mul3A_378 : f32 to vector<16x16xf32>
    %mul3A_380 = arith.mulf %dot_general3A_377, %mul3A_379 : vector<16x16xf32>
    %logistic3A_381 = arith.negf %mul3A_380 : vector<16x16xf32>
    %logistic3A_382 = math.exp %logistic3A_381 : vector<16x16xf32>
    %logistic3A_383 = arith.constant 1.000000e+00 : f32
    %logistic3A_384 = vector.broadcast %logistic3A_383 : f32 to vector<16x16xf32>
    %logistic3A_385 = arith.addf %logistic3A_384, %logistic3A_382 : vector<16x16xf32>
    %logistic3A_386 = arith.divf %logistic3A_384, %logistic3A_385 : vector<16x16xf32>
    %gt3A_387 = arith.constant 5.000000e-01 : f32
    %gt3A_388 = vector.broadcast %gt3A_387 : f32 to vector<16x16xf32>
    %gt3A_389 = arith.cmpf ogt, %logistic3A_386, %gt3A_388 : vector<16x16xf32>
    %or3A_390 = arith.ori %gt3A_389, %eq3A : vector<16x16xi1>
    %jit3A_391 = arith.constant 0.000000e+00 : f32
    %jit3A_392 = arith.constant -1.000000e+30 : f32
    %broadcast_in_dim3A_393 = vector.broadcast %jit3A_391 : f32 to vector<16x16xf32>
    %broadcast_in_dim3A_394 = vector.broadcast %jit3A_392 : f32 to vector<16x16xf32>
    %select_n3A_395 = arith.select %or3A_390, %broadcast_in_dim3A_393, %broadcast_in_dim3A_394 : vector<16x16xi1>, vector<16x16xf32>
    %swap3A_396 = arith.constant 0 : index
    %swap3A_397 = arith.constant 2 : index
    %swap3A_398 = arith.constant 0 : index
    %swap3A_399 = arith.constant 0 : index
    %swap3A_400 = vector.load %arg4[%swap3A_396, %swap3A_397, %swap3A_398, %swap3A_399] : memref<16x8x4x16xf32, #tpu.memory_space<vmem>>, vector<16x1x1x16xf32>
    %swap3A_401 = vector.shape_cast %swap3A_400 : vector<16x1x1x16xf32> to vector<16x16xf32>
    %swap3A_402 = vector.shape_cast %select_n3A_395 : vector<16x16xf32> to vector<16x1x1x16xf32>
    tpu.vector_store %arg4[%swap3A_396, %swap3A_397, %swap3A_398, %swap3A_399], %swap3A_402 {strides = array<i32>} : memref<16x8x4x16xf32, #tpu.memory_space<vmem>>, vector<16x1x1x16xf32>,
    %get3A_403 = arith.constant 9 : index
    %get3A_404 = arith.constant 0 : index
    %get3A_405 = arith.constant 0 : index
    %get3A_406 = vector.load %arg0[%get3A_403, %get3A_404, %get3A_405] : memref<32x16x128xf32, #tpu.memory_space<vmem>>, vector<1x16x128xf32>
    %get3A_407 = vector.shape_cast %get3A_406 : vector<1x16x128xf32> to vector<16x128xf32>
    %convert_element_type3A_408 = arith.truncf %get3A_407 : vector<16x128xf32> to vector<16x128xbf16>
    %dot_general3A_409 = arith.constant dense<0.000000e+00> : vector<16x64xf32>
    %dot_general3A_410 = tpu.matmul %convert_element_type3A_408, %convert_element_type3A, %dot_general3A_409 {dimension_numbers = #tpu.dot_dimension_numbers<[1], [0], [0], [1], [0, 0, 1, 1], [], []>, transpose_lhs_hint = false} : vector<16x128xbf16>, vector<128x64xbf16>, vector<16x64xf32> -> vector<16x64xf32>
    %get3A_411 = arith.constant 9 : index
    %get3A_412 = arith.constant 0 : index
    %get3A_413 = arith.constant 0 : index
    %get3A_414 = vector.load %arg1[%get3A_411, %get3A_412, %get3A_413] : memref<32x16x128xf32, #tpu.memory_space<vmem>>, vector<1x16x128xf32>
    %get3A_415 = vector.shape_cast %get3A_414 : vector<1x16x128xf32> to vector<16x128xf32>
    %convert_element_type3A_416 = arith.truncf %get3A_415 : vector<16x128xf32> to vector<16x128xbf16>
    %dot_general3A_417 = arith.constant dense<0.000000e+00> : vector<16x64xf32>
    %dot_general3A_418 = tpu.matmul %convert_element_type3A_416, %convert_element_type3A_6, %dot_general3A_417 {dimension_numbers = #tpu.dot_dimension_numbers<[1], [0], [0], [1], [0, 0, 1, 1], [], []>, transpose_lhs_hint = false} : vector<16x128xbf16>, vector<128x64xbf16>, vector<16x64xf32> -> vector<16x64xf32>
    %convert_element_type3A_419 = arith.truncf %dot_general3A_410 : vector<16x64xf32> to vector<16x64xbf16>
    %convert_element_type3A_420 = arith.truncf %dot_general3A_418 : vector<16x64xf32> to vector<16x64xbf16>
    %dot_general3A_421 = arith.constant dense<0.000000e+00> : vector<16x16xf32>
    %dot_general3A_422 = tpu.matmul %convert_element_type3A_419, %convert_element_type3A_420, %dot_general3A_421 {dimension_numbers = #tpu.dot_dimension_numbers<[1], [1], [0], [0], [0, 0, 1, 0], [], []>, transpose_lhs_hint = false} : vector<16x64xbf16>, vector<16x64xbf16>, vector<16x16xf32> -> vector<16x16xf32>
    %mul3A_423 = arith.constant 1.250000e-01 : f32
    %mul3A_424 = vector.broadcast %mul3A_423 : f32 to vector<16x16xf32>
    %mul3A_425 = arith.mulf %dot_general3A_422, %mul3A_424 : vector<16x16xf32>
    %logistic3A_426 = arith.negf %mul3A_425 : vector<16x16xf32>
    %logistic3A_427 = math.exp %logistic3A_426 : vector<16x16xf32>
    %logistic3A_428 = arith.constant 1.000000e+00 : f32
    %logistic3A_429 = vector.broadcast %logistic3A_428 : f32 to vector<16x16xf32>
    %logistic3A_430 = arith.addf %logistic3A_429, %logistic3A_427 : vector<16x16xf32>
    %logistic3A_431 = arith.divf %logistic3A_429, %logistic3A_430 : vector<16x16xf32>
    %gt3A_432 = arith.constant 5.000000e-01 : f32
    %gt3A_433 = vector.broadcast %gt3A_432 : f32 to vector<16x16xf32>
    %gt3A_434 = arith.cmpf ogt, %logistic3A_431, %gt3A_433 : vector<16x16xf32>
    %or3A_435 = arith.ori %gt3A_434, %eq3A : vector<16x16xi1>
    %jit3A_436 = arith.constant 0.000000e+00 : f32
    %jit3A_437 = arith.constant -1.000000e+30 : f32
    %broadcast_in_dim3A_438 = vector.broadcast %jit3A_436 : f32 to vector<16x16xf32>
    %broadcast_in_dim3A_439 = vector.broadcast %jit3A_437 : f32 to vector<16x16xf32>
    %select_n3A_440 = arith.select %or3A_435, %broadcast_in_dim3A_438, %broadcast_in_dim3A_439 : vector<16x16xi1>, vector<16x16xf32>
    %swap3A_441 = arith.constant 0 : index
    %swap3A_442 = arith.constant 2 : index
    %swap3A_443 = arith.constant 1 : index
    %swap3A_444 = arith.constant 0 : index
    %swap3A_445 = vector.load %arg4[%swap3A_441, %swap3A_442, %swap3A_443, %swap3A_444] : memref<16x8x4x16xf32, #tpu.memory_space<vmem>>, vector<16x1x1x16xf32>
    %swap3A_446 = vector.shape_cast %swap3A_445 : vector<16x1x1x16xf32> to vector<16x16xf32>
    %swap3A_447 = vector.shape_cast %select_n3A_440 : vector<16x16xf32> to vector<16x1x1x16xf32>
    tpu.vector_store %arg4[%swap3A_441, %swap3A_442, %swap3A_443, %swap3A_444], %swap3A_447 {strides = array<i32>} : memref<16x8x4x16xf32, #tpu.memory_space<vmem>>, vector<16x1x1x16xf32>,
    %get3A_448 = arith.constant 10 : index
    %get3A_449 = arith.constant 0 : index
    %get3A_450 = arith.constant 0 : index
    %get3A_451 = vector.load %arg0[%get3A_448, %get3A_449, %get3A_450] : memref<32x16x128xf32, #tpu.memory_space<vmem>>, vector<1x16x128xf32>
    %get3A_452 = vector.shape_cast %get3A_451 : vector<1x16x128xf32> to vector<16x128xf32>
    %convert_element_type3A_453 = arith.truncf %get3A_452 : vector<16x128xf32> to vector<16x128xbf16>
    %dot_general3A_454 = arith.constant dense<0.000000e+00> : vector<16x64xf32>
    %dot_general3A_455 = tpu.matmul %convert_element_type3A_453, %convert_element_type3A, %dot_general3A_454 {dimension_numbers = #tpu.dot_dimension_numbers<[1], [0], [0], [1], [0, 0, 1, 1], [], []>, transpose_lhs_hint = false} : vector<16x128xbf16>, vector<128x64xbf16>, vector<16x64xf32> -> vector<16x64xf32>
    %get3A_456 = arith.constant 10 : index
    %get3A_457 = arith.constant 0 : index
    %get3A_458 = arith.constant 0 : index
    %get3A_459 = vector.load %arg1[%get3A_456, %get3A_457, %get3A_458] : memref<32x16x128xf32, #tpu.memory_space<vmem>>, vector<1x16x128xf32>
    %get3A_460 = vector.shape_cast %get3A_459 : vector<1x16x128xf32> to vector<16x128xf32>
    %convert_element_type3A_461 = arith.truncf %get3A_460 : vector<16x128xf32> to vector<16x128xbf16>
    %dot_general3A_462 = arith.constant dense<0.000000e+00> : vector<16x64xf32>
    %dot_general3A_463 = tpu.matmul %convert_element_type3A_461, %convert_element_type3A_6, %dot_general3A_462 {dimension_numbers = #tpu.dot_dimension_numbers<[1], [0], [0], [1], [0, 0, 1, 1], [], []>, transpose_lhs_hint = false} : vector<16x128xbf16>, vector<128x64xbf16>, vector<16x64xf32> -> vector<16x64xf32>
    %convert_element_type3A_464 = arith.truncf %dot_general3A_455 : vector<16x64xf32> to vector<16x64xbf16>
    %convert_element_type3A_465 = arith.truncf %dot_general3A_463 : vector<16x64xf32> to vector<16x64xbf16>
    %dot_general3A_466 = arith.constant dense<0.000000e+00> : vector<16x16xf32>
    %dot_general3A_467 = tpu.matmul %convert_element_type3A_464, %convert_element_type3A_465, %dot_general3A_466 {dimension_numbers = #tpu.dot_dimension_numbers<[1], [1], [0], [0], [0, 0, 1, 0], [], []>, transpose_lhs_hint = false} : vector<16x64xbf16>, vector<16x64xbf16>, vector<16x16xf32> -> vector<16x16xf32>
    %mul3A_468 = arith.constant 1.250000e-01 : f32
    %mul3A_469 = vector.broadcast %mul3A_468 : f32 to vector<16x16xf32>
    %mul3A_470 = arith.mulf %dot_general3A_467, %mul3A_469 : vector<16x16xf32>
    %logistic3A_471 = arith.negf %mul3A_470 : vector<16x16xf32>
    %logistic3A_472 = math.exp %logistic3A_471 : vector<16x16xf32>
    %logistic3A_473 = arith.constant 1.000000e+00 : f32
    %logistic3A_474 = vector.broadcast %logistic3A_473 : f32 to vector<16x16xf32>
    %logistic3A_475 = arith.addf %logistic3A_474, %logistic3A_472 : vector<16x16xf32>
    %logistic3A_476 = arith.divf %logistic3A_474, %logistic3A_475 : vector<16x16xf32>
    %gt3A_477 = arith.constant 5.000000e-01 : f32
    %gt3A_478 = vector.broadcast %gt3A_477 : f32 to vector<16x16xf32>
    %gt3A_479 = arith.cmpf ogt, %logistic3A_476, %gt3A_478 : vector<16x16xf32>
    %or3A_480 = arith.ori %gt3A_479, %eq3A : vector<16x16xi1>
    %jit3A_481 = arith.constant 0.000000e+00 : f32
    %jit3A_482 = arith.constant -1.000000e+30 : f32
    %broadcast_in_dim3A_483 = vector.broadcast %jit3A_481 : f32 to vector<16x16xf32>
    %broadcast_in_dim3A_484 = vector.broadcast %jit3A_482 : f32 to vector<16x16xf32>
    %select_n3A_485 = arith.select %or3A_480, %broadcast_in_dim3A_483, %broadcast_in_dim3A_484 : vector<16x16xi1>, vector<16x16xf32>
    %swap3A_486 = arith.constant 0 : index
    %swap3A_487 = arith.constant 2 : index
    %swap3A_488 = arith.constant 2 : index
    %swap3A_489 = arith.constant 0 : index
    %swap3A_490 = vector.load %arg4[%swap3A_486, %swap3A_487, %swap3A_488, %swap3A_489] : memref<16x8x4x16xf32, #tpu.memory_space<vmem>>, vector<16x1x1x16xf32>
    %swap3A_491 = vector.shape_cast %swap3A_490 : vector<16x1x1x16xf32> to vector<16x16xf32>
    %swap3A_492 = vector.shape_cast %select_n3A_485 : vector<16x16xf32> to vector<16x1x1x16xf32>
    tpu.vector_store %arg4[%swap3A_486, %swap3A_487, %swap3A_488, %swap3A_489], %swap3A_492 {strides = array<i32>} : memref<16x8x4x16xf32, #tpu.memory_space<vmem>>, vector<16x1x1x16xf32>,
    %get3A_493 = arith.constant 11 : index
    %get3A_494 = arith.constant 0 : index
    %get3A_495 = arith.constant 0 : index
    %get3A_496 = vector.load %arg0[%get3A_493, %get3A_494, %get3A_495] : memref<32x16x128xf32, #tpu.memory_space<vmem>>, vector<1x16x128xf32>
    %get3A_497 = vector.shape_cast %get3A_496 : vector<1x16x128xf32> to vector<16x128xf32>
    %convert_element_type3A_498 = arith.truncf %get3A_497 : vector<16x128xf32> to vector<16x128xbf16>
    %dot_general3A_499 = arith.constant dense<0.000000e+00> : vector<16x64xf32>
    %dot_general3A_500 = tpu.matmul %convert_element_type3A_498, %convert_element_type3A, %dot_general3A_499 {dimension_numbers = #tpu.dot_dimension_numbers<[1], [0], [0], [1], [0, 0, 1, 1], [], []>, transpose_lhs_hint = false} : vector<16x128xbf16>, vector<128x64xbf16>, vector<16x64xf32> -> vector<16x64xf32>
    %get3A_501 = arith.constant 11 : index
    %get3A_502 = arith.constant 0 : index
    %get3A_503 = arith.constant 0 : index
    %get3A_504 = vector.load %arg1[%get3A_501, %get3A_502, %get3A_503] : memref<32x16x128xf32, #tpu.memory_space<vmem>>, vector<1x16x128xf32>
    %get3A_505 = vector.shape_cast %get3A_504 : vector<1x16x128xf32> to vector<16x128xf32>
    %convert_element_type3A_506 = arith.truncf %get3A_505 : vector<16x128xf32> to vector<16x128xbf16>
    %dot_general3A_507 = arith.constant dense<0.000000e+00> : vector<16x64xf32>
    %dot_general3A_508 = tpu.matmul %convert_element_type3A_506, %convert_element_type3A_6, %dot_general3A_507 {dimension_numbers = #tpu.dot_dimension_numbers<[1], [0], [0], [1], [0, 0, 1, 1], [], []>, transpose_lhs_hint = false} : vector<16x128xbf16>, vector<128x64xbf16>, vector<16x64xf32> -> vector<16x64xf32>
    %convert_element_type3A_509 = arith.truncf %dot_general3A_500 : vector<16x64xf32> to vector<16x64xbf16>
    %convert_element_type3A_510 = arith.truncf %dot_general3A_508 : vector<16x64xf32> to vector<16x64xbf16>
    %dot_general3A_511 = arith.constant dense<0.000000e+00> : vector<16x16xf32>
    %dot_general3A_512 = tpu.matmul %convert_element_type3A_509, %convert_element_type3A_510, %dot_general3A_511 {dimension_numbers = #tpu.dot_dimension_numbers<[1], [1], [0], [0], [0, 0, 1, 0], [], []>, transpose_lhs_hint = false} : vector<16x64xbf16>, vector<16x64xbf16>, vector<16x16xf32> -> vector<16x16xf32>
    %mul3A_513 = arith.constant 1.250000e-01 : f32
    %mul3A_514 = vector.broadcast %mul3A_513 : f32 to vector<16x16xf32>
    %mul3A_515 = arith.mulf %dot_general3A_512, %mul3A_514 : vector<16x16xf32>
    %logistic3A_516 = arith.negf %mul3A_515 : vector<16x16xf32>
    %logistic3A_517 = math.exp %logistic3A_516 : vector<16x16xf32>
    %logistic3A_518 = arith.constant 1.000000e+00 : f32
    %logistic3A_519 = vector.broadcast %logistic3A_518 : f32 to vector<16x16xf32>
    %logistic3A_520 = arith.addf %logistic3A_519, %logistic3A_517 : vector<16x16xf32>
    %logistic3A_521 = arith.divf %logistic3A_519, %logistic3A_520 : vector<16x16xf32>
    %gt3A_522 = arith.constant 5.000000e-01 : f32
    %gt3A_523 = vector.broadcast %gt3A_522 : f32 to vector<16x16xf32>
    %gt3A_524 = arith.cmpf ogt, %logistic3A_521, %gt3A_523 : vector<16x16xf32>
    %or3A_525 = arith.ori %gt3A_524, %eq3A : vector<16x16xi1>
    %jit3A_526 = arith.constant 0.000000e+00 : f32
    %jit3A_527 = arith.constant -1.000000e+30 : f32
    %broadcast_in_dim3A_528 = vector.broadcast %jit3A_526 : f32 to vector<16x16xf32>
    %broadcast_in_dim3A_529 = vector.broadcast %jit3A_527 : f32 to vector<16x16xf32>
    %select_n3A_530 = arith.select %or3A_525, %broadcast_in_dim3A_528, %broadcast_in_dim3A_529 : vector<16x16xi1>, vector<16x16xf32>
    %swap3A_531 = arith.constant 0 : index
    %swap3A_532 = arith.constant 2 : index
    %swap3A_533 = arith.constant 3 : index
    %swap3A_534 = arith.constant 0 : index
    %swap3A_535 = vector.load %arg4[%swap3A_531, %swap3A_532, %swap3A_533, %swap3A_534] : memref<16x8x4x16xf32, #tpu.memory_space<vmem>>, vector<16x1x1x16xf32>
    %swap3A_536 = vector.shape_cast %swap3A_535 : vector<16x1x1x16xf32> to vector<16x16xf32>
    %swap3A_537 = vector.shape_cast %select_n3A_530 : vector<16x16xf32> to vector<16x1x1x16xf32>
    tpu.vector_store %arg4[%swap3A_531, %swap3A_532, %swap3A_533, %swap3A_534], %swap3A_537 {strides = array<i32>} : memref<16x8x4x16xf32, #tpu.memory_space<vmem>>, vector<16x1x1x16xf32>,
    %get3A_538 = arith.constant 12 : index
    %get3A_539 = arith.constant 0 : index
    %get3A_540 = arith.constant 0 : index
    %get3A_541 = vector.load %arg0[%get3A_538, %get3A_539, %get3A_540] : memref<32x16x128xf32, #tpu.memory_space<vmem>>, vector<1x16x128xf32>
    %get3A_542 = vector.shape_cast %get3A_541 : vector<1x16x128xf32> to vector<16x128xf32>
    %convert_element_type3A_543 = arith.truncf %get3A_542 : vector<16x128xf32> to vector<16x128xbf16>
    %dot_general3A_544 = arith.constant dense<0.000000e+00> : vector<16x64xf32>
    %dot_general3A_545 = tpu.matmul %convert_element_type3A_543, %convert_element_type3A, %dot_general3A_544 {dimension_numbers = #tpu.dot_dimension_numbers<[1], [0], [0], [1], [0, 0, 1, 1], [], []>, transpose_lhs_hint = false} : vector<16x128xbf16>, vector<128x64xbf16>, vector<16x64xf32> -> vector<16x64xf32>
    %get3A_546 = arith.constant 12 : index
    %get3A_547 = arith.constant 0 : index
    %get3A_548 = arith.constant 0 : index
    %get3A_549 = vector.load %arg1[%get3A_546, %get3A_547, %get3A_548] : memref<32x16x128xf32, #tpu.memory_space<vmem>>, vector<1x16x128xf32>
    %get3A_550 = vector.shape_cast %get3A_549 : vector<1x16x128xf32> to vector<16x128xf32>
    %convert_element_type3A_551 = arith.truncf %get3A_550 : vector<16x128xf32> to vector<16x128xbf16>
    %dot_general3A_552 = arith.constant dense<0.000000e+00> : vector<16x64xf32>
    %dot_general3A_553 = tpu.matmul %convert_element_type3A_551, %convert_element_type3A_6, %dot_general3A_552 {dimension_numbers = #tpu.dot_dimension_numbers<[1], [0], [0], [1], [0, 0, 1, 1], [], []>, transpose_lhs_hint = false} : vector<16x128xbf16>, vector<128x64xbf16>, vector<16x64xf32> -> vector<16x64xf32>
    %convert_element_type3A_554 = arith.truncf %dot_general3A_545 : vector<16x64xf32> to vector<16x64xbf16>
    %convert_element_type3A_555 = arith.truncf %dot_general3A_553 : vector<16x64xf32> to vector<16x64xbf16>
    %dot_general3A_556 = arith.constant dense<0.000000e+00> : vector<16x16xf32>
    %dot_general3A_557 = tpu.matmul %convert_element_type3A_554, %convert_element_type3A_555, %dot_general3A_556 {dimension_numbers = #tpu.dot_dimension_numbers<[1], [1], [0], [0], [0, 0, 1, 0], [], []>, transpose_lhs_hint = false} : vector<16x64xbf16>, vector<16x64xbf16>, vector<16x16xf32> -> vector<16x16xf32>
    %mul3A_558 = arith.constant 1.250000e-01 : f32
    %mul3A_559 = vector.broadcast %mul3A_558 : f32 to vector<16x16xf32>
    %mul3A_560 = arith.mulf %dot_general3A_557, %mul3A_559 : vector<16x16xf32>
    %logistic3A_561 = arith.negf %mul3A_560 : vector<16x16xf32>
    %logistic3A_562 = math.exp %logistic3A_561 : vector<16x16xf32>
    %logistic3A_563 = arith.constant 1.000000e+00 : f32
    %logistic3A_564 = vector.broadcast %logistic3A_563 : f32 to vector<16x16xf32>
    %logistic3A_565 = arith.addf %logistic3A_564, %logistic3A_562 : vector<16x16xf32>
    %logistic3A_566 = arith.divf %logistic3A_564, %logistic3A_565 : vector<16x16xf32>
    %gt3A_567 = arith.constant 5.000000e-01 : f32
    %gt3A_568 = vector.broadcast %gt3A_567 : f32 to vector<16x16xf32>
    %gt3A_569 = arith.cmpf ogt, %logistic3A_566, %gt3A_568 : vector<16x16xf32>
    %or3A_570 = arith.ori %gt3A_569, %eq3A : vector<16x16xi1>
    %jit3A_571 = arith.constant 0.000000e+00 : f32
    %jit3A_572 = arith.constant -1.000000e+30 : f32
    %broadcast_in_dim3A_573 = vector.broadcast %jit3A_571 : f32 to vector<16x16xf32>
    %broadcast_in_dim3A_574 = vector.broadcast %jit3A_572 : f32 to vector<16x16xf32>
    %select_n3A_575 = arith.select %or3A_570, %broadcast_in_dim3A_573, %broadcast_in_dim3A_574 : vector<16x16xi1>, vector<16x16xf32>
    %swap3A_576 = arith.constant 0 : index
    %swap3A_577 = arith.constant 3 : index
    %swap3A_578 = arith.constant 0 : index
    %swap3A_579 = arith.constant 0 : index
    %swap3A_580 = vector.load %arg4[%swap3A_576, %swap3A_577, %swap3A_578, %swap3A_579] : memref<16x8x4x16xf32, #tpu.memory_space<vmem>>, vector<16x1x1x16xf32>
    %swap3A_581 = vector.shape_cast %swap3A_580 : vector<16x1x1x16xf32> to vector<16x16xf32>
    %swap3A_582 = vector.shape_cast %select_n3A_575 : vector<16x16xf32> to vector<16x1x1x16xf32>
    tpu.vector_store %arg4[%swap3A_576, %swap3A_577, %swap3A_578, %swap3A_579], %swap3A_582 {strides = array<i32>} : memref<16x8x4x16xf32, #tpu.memory_space<vmem>>, vector<16x1x1x16xf32>,
    %get3A_583 = arith.constant 13 : index
    %get3A_584 = arith.constant 0 : index
    %get3A_585 = arith.constant 0 : index
    %get3A_586 = vector.load %arg0[%get3A_583, %get3A_584, %get3A_585] : memref<32x16x128xf32, #tpu.memory_space<vmem>>, vector<1x16x128xf32>
    %get3A_587 = vector.shape_cast %get3A_586 : vector<1x16x128xf32> to vector<16x128xf32>
    %convert_element_type3A_588 = arith.truncf %get3A_587 : vector<16x128xf32> to vector<16x128xbf16>
    %dot_general3A_589 = arith.constant dense<0.000000e+00> : vector<16x64xf32>
    %dot_general3A_590 = tpu.matmul %convert_element_type3A_588, %convert_element_type3A, %dot_general3A_589 {dimension_numbers = #tpu.dot_dimension_numbers<[1], [0], [0], [1], [0, 0, 1, 1], [], []>, transpose_lhs_hint = false} : vector<16x128xbf16>, vector<128x64xbf16>, vector<16x64xf32> -> vector<16x64xf32>
    %get3A_591 = arith.constant 13 : index
    %get3A_592 = arith.constant 0 : index
    %get3A_593 = arith.constant 0 : index
    %get3A_594 = vector.load %arg1[%get3A_591, %get3A_592, %get3A_593] : memref<32x16x128xf32, #tpu.memory_space<vmem>>, vector<1x16x128xf32>
    %get3A_595 = vector.shape_cast %get3A_594 : vector<1x16x128xf32> to vector<16x128xf32>
    %convert_element_type3A_596 = arith.truncf %get3A_595 : vector<16x128xf32> to vector<16x128xbf16>
    %dot_general3A_597 = arith.constant dense<0.000000e+00> : vector<16x64xf32>
    %dot_general3A_598 = tpu.matmul %convert_element_type3A_596, %convert_element_type3A_6, %dot_general3A_597 {dimension_numbers = #tpu.dot_dimension_numbers<[1], [0], [0], [1], [0, 0, 1, 1], [], []>, transpose_lhs_hint = false} : vector<16x128xbf16>, vector<128x64xbf16>, vector<16x64xf32> -> vector<16x64xf32>
    %convert_element_type3A_599 = arith.truncf %dot_general3A_590 : vector<16x64xf32> to vector<16x64xbf16>
    %convert_element_type3A_600 = arith.truncf %dot_general3A_598 : vector<16x64xf32> to vector<16x64xbf16>
    %dot_general3A_601 = arith.constant dense<0.000000e+00> : vector<16x16xf32>
    %dot_general3A_602 = tpu.matmul %convert_element_type3A_599, %convert_element_type3A_600, %dot_general3A_601 {dimension_numbers = #tpu.dot_dimension_numbers<[1], [1], [0], [0], [0, 0, 1, 0], [], []>, transpose_lhs_hint = false} : vector<16x64xbf16>, vector<16x64xbf16>, vector<16x16xf32> -> vector<16x16xf32>
    %mul3A_603 = arith.constant 1.250000e-01 : f32
    %mul3A_604 = vector.broadcast %mul3A_603 : f32 to vector<16x16xf32>
    %mul3A_605 = arith.mulf %dot_general3A_602, %mul3A_604 : vector<16x16xf32>
    %logistic3A_606 = arith.negf %mul3A_605 : vector<16x16xf32>
    %logistic3A_607 = math.exp %logistic3A_606 : vector<16x16xf32>
    %logistic3A_608 = arith.constant 1.000000e+00 : f32
    %logistic3A_609 = vector.broadcast %logistic3A_608 : f32 to vector<16x16xf32>
    %logistic3A_610 = arith.addf %logistic3A_609, %logistic3A_607 : vector<16x16xf32>
    %logistic3A_611 = arith.divf %logistic3A_609, %logistic3A_610 : vector<16x16xf32>
    %gt3A_612 = arith.constant 5.000000e-01 : f32
    %gt3A_613 = vector.broadcast %gt3A_612 : f32 to vector<16x16xf32>
    %gt3A_614 = arith.cmpf ogt, %logistic3A_611, %gt3A_613 : vector<16x16xf32>
    %or3A_615 = arith.ori %gt3A_614, %eq3A : vector<16x16xi1>
    %jit3A_616 = arith.constant 0.000000e+00 : f32
    %jit3A_617 = arith.constant -1.000000e+30 : f32
    %broadcast_in_dim3A_618 = vector.broadcast %jit3A_616 : f32 to vector<16x16xf32>
    %broadcast_in_dim3A_619 = vector.broadcast %jit3A_617 : f32 to vector<16x16xf32>
    %select_n3A_620 = arith.select %or3A_615, %broadcast_in_dim3A_618, %broadcast_in_dim3A_619 : vector<16x16xi1>, vector<16x16xf32>
    %swap3A_621 = arith.constant 0 : index
    %swap3A_622 = arith.constant 3 : index
    %swap3A_623 = arith.constant 1 : index
    %swap3A_624 = arith.constant 0 : index
    %swap3A_625 = vector.load %arg4[%swap3A_621, %swap3A_622, %swap3A_623, %swap3A_624] : memref<16x8x4x16xf32, #tpu.memory_space<vmem>>, vector<16x1x1x16xf32>
    %swap3A_626 = vector.shape_cast %swap3A_625 : vector<16x1x1x16xf32> to vector<16x16xf32>
    %swap3A_627 = vector.shape_cast %select_n3A_620 : vector<16x16xf32> to vector<16x1x1x16xf32>
    tpu.vector_store %arg4[%swap3A_621, %swap3A_622, %swap3A_623, %swap3A_624], %swap3A_627 {strides = array<i32>} : memref<16x8x4x16xf32, #tpu.memory_space<vmem>>, vector<16x1x1x16xf32>,
    %get3A_628 = arith.constant 14 : index
    %get3A_629 = arith.constant 0 : index
    %get3A_630 = arith.constant 0 : index
    %get3A_631 = vector.load %arg0[%get3A_628, %get3A_629, %get3A_630] : memref<32x16x128xf32, #tpu.memory_space<vmem>>, vector<1x16x128xf32>
    %get3A_632 = vector.shape_cast %get3A_631 : vector<1x16x128xf32> to vector<16x128xf32>
    %convert_element_type3A_633 = arith.truncf %get3A_632 : vector<16x128xf32> to vector<16x128xbf16>
    %dot_general3A_634 = arith.constant dense<0.000000e+00> : vector<16x64xf32>
    %dot_general3A_635 = tpu.matmul %convert_element_type3A_633, %convert_element_type3A, %dot_general3A_634 {dimension_numbers = #tpu.dot_dimension_numbers<[1], [0], [0], [1], [0, 0, 1, 1], [], []>, transpose_lhs_hint = false} : vector<16x128xbf16>, vector<128x64xbf16>, vector<16x64xf32> -> vector<16x64xf32>
    %get3A_636 = arith.constant 14 : index
    %get3A_637 = arith.constant 0 : index
    %get3A_638 = arith.constant 0 : index
    %get3A_639 = vector.load %arg1[%get3A_636, %get3A_637, %get3A_638] : memref<32x16x128xf32, #tpu.memory_space<vmem>>, vector<1x16x128xf32>
    %get3A_640 = vector.shape_cast %get3A_639 : vector<1x16x128xf32> to vector<16x128xf32>
    %convert_element_type3A_641 = arith.truncf %get3A_640 : vector<16x128xf32> to vector<16x128xbf16>
    %dot_general3A_642 = arith.constant dense<0.000000e+00> : vector<16x64xf32>
    %dot_general3A_643 = tpu.matmul %convert_element_type3A_641, %convert_element_type3A_6, %dot_general3A_642 {dimension_numbers = #tpu.dot_dimension_numbers<[1], [0], [0], [1], [0, 0, 1, 1], [], []>, transpose_lhs_hint = false} : vector<16x128xbf16>, vector<128x64xbf16>, vector<16x64xf32> -> vector<16x64xf32>
    %convert_element_type3A_644 = arith.truncf %dot_general3A_635 : vector<16x64xf32> to vector<16x64xbf16>
    %convert_element_type3A_645 = arith.truncf %dot_general3A_643 : vector<16x64xf32> to vector<16x64xbf16>
    %dot_general3A_646 = arith.constant dense<0.000000e+00> : vector<16x16xf32>
    %dot_general3A_647 = tpu.matmul %convert_element_type3A_644, %convert_element_type3A_645, %dot_general3A_646 {dimension_numbers = #tpu.dot_dimension_numbers<[1], [1], [0], [0], [0, 0, 1, 0], [], []>, transpose_lhs_hint = false} : vector<16x64xbf16>, vector<16x64xbf16>, vector<16x16xf32> -> vector<16x16xf32>
    %mul3A_648 = arith.constant 1.250000e-01 : f32
    %mul3A_649 = vector.broadcast %mul3A_648 : f32 to vector<16x16xf32>
    %mul3A_650 = arith.mulf %dot_general3A_647, %mul3A_649 : vector<16x16xf32>
    %logistic3A_651 = arith.negf %mul3A_650 : vector<16x16xf32>
    %logistic3A_652 = math.exp %logistic3A_651 : vector<16x16xf32>
    %logistic3A_653 = arith.constant 1.000000e+00 : f32
    %logistic3A_654 = vector.broadcast %logistic3A_653 : f32 to vector<16x16xf32>
    %logistic3A_655 = arith.addf %logistic3A_654, %logistic3A_652 : vector<16x16xf32>
    %logistic3A_656 = arith.divf %logistic3A_654, %logistic3A_655 : vector<16x16xf32>
    %gt3A_657 = arith.constant 5.000000e-01 : f32
    %gt3A_658 = vector.broadcast %gt3A_657 : f32 to vector<16x16xf32>
    %gt3A_659 = arith.cmpf ogt, %logistic3A_656, %gt3A_658 : vector<16x16xf32>
    %or3A_660 = arith.ori %gt3A_659, %eq3A : vector<16x16xi1>
    %jit3A_661 = arith.constant 0.000000e+00 : f32
    %jit3A_662 = arith.constant -1.000000e+30 : f32
    %broadcast_in_dim3A_663 = vector.broadcast %jit3A_661 : f32 to vector<16x16xf32>
    %broadcast_in_dim3A_664 = vector.broadcast %jit3A_662 : f32 to vector<16x16xf32>
    %select_n3A_665 = arith.select %or3A_660, %broadcast_in_dim3A_663, %broadcast_in_dim3A_664 : vector<16x16xi1>, vector<16x16xf32>
    %swap3A_666 = arith.constant 0 : index
    %swap3A_667 = arith.constant 3 : index
    %swap3A_668 = arith.constant 2 : index
    %swap3A_669 = arith.constant 0 : index
    %swap3A_670 = vector.load %arg4[%swap3A_666, %swap3A_667, %swap3A_668, %swap3A_669] : memref<16x8x4x16xf32, #tpu.memory_space<vmem>>, vector<16x1x1x16xf32>
    %swap3A_671 = vector.shape_cast %swap3A_670 : vector<16x1x1x16xf32> to vector<16x16xf32>
    %swap3A_672 = vector.shape_cast %select_n3A_665 : vector<16x16xf32> to vector<16x1x1x16xf32>
    tpu.vector_store %arg4[%swap3A_666, %swap3A_667, %swap3A_668, %swap3A_669], %swap3A_672 {strides = array<i32>} : memref<16x8x4x16xf32, #tpu.memory_space<vmem>>, vector<16x1x1x16xf32>,
    %get3A_673 = arith.constant 15 : index
    %get3A_674 = arith.constant 0 : index
    %get3A_675 = arith.constant 0 : index
    %get3A_676 = vector.load %arg0[%get3A_673, %get3A_674, %get3A_675] : memref<32x16x128xf32, #tpu.memory_space<vmem>>, vector<1x16x128xf32>
    %get3A_677 = vector.shape_cast %get3A_676 : vector<1x16x128xf32> to vector<16x128xf32>
    %convert_element_type3A_678 = arith.truncf %get3A_677 : vector<16x128xf32> to vector<16x128xbf16>
    %dot_general3A_679 = arith.constant dense<0.000000e+00> : vector<16x64xf32>
    %dot_general3A_680 = tpu.matmul %convert_element_type3A_678, %convert_element_type3A, %dot_general3A_679 {dimension_numbers = #tpu.dot_dimension_numbers<[1], [0], [0], [1], [0, 0, 1, 1], [], []>, transpose_lhs_hint = false} : vector<16x128xbf16>, vector<128x64xbf16>, vector<16x64xf32> -> vector<16x64xf32>
    %get3A_681 = arith.constant 15 : index
    %get3A_682 = arith.constant 0 : index
    %get3A_683 = arith.constant 0 : index
    %get3A_684 = vector.load %arg1[%get3A_681, %get3A_682, %get3A_683] : memref<32x16x128xf32, #tpu.memory_space<vmem>>, vector<1x16x128xf32>
    %get3A_685 = vector.shape_cast %get3A_684 : vector<1x16x128xf32> to vector<16x128xf32>
    %convert_element_type3A_686 = arith.truncf %get3A_685 : vector<16x128xf32> to vector<16x128xbf16>
    %dot_general3A_687 = arith.constant dense<0.000000e+00> : vector<16x64xf32>
    %dot_general3A_688 = tpu.matmul %convert_element_type3A_686, %convert_element_type3A_6, %dot_general3A_687 {dimension_numbers = #tpu.dot_dimension_numbers<[1], [0], [0], [1], [0, 0, 1, 1], [], []>, transpose_lhs_hint = false} : vector<16x128xbf16>, vector<128x64xbf16>, vector<16x64xf32> -> vector<16x64xf32>
    %convert_element_type3A_689 = arith.truncf %dot_general3A_680 : vector<16x64xf32> to vector<16x64xbf16>
    %convert_element_type3A_690 = arith.truncf %dot_general3A_688 : vector<16x64xf32> to vector<16x64xbf16>
    %dot_general3A_691 = arith.constant dense<0.000000e+00> : vector<16x16xf32>
    %dot_general3A_692 = tpu.matmul %convert_element_type3A_689, %convert_element_type3A_690, %dot_general3A_691 {dimension_numbers = #tpu.dot_dimension_numbers<[1], [1], [0], [0], [0, 0, 1, 0], [], []>, transpose_lhs_hint = false} : vector<16x64xbf16>, vector<16x64xbf16>, vector<16x16xf32> -> vector<16x16xf32>
    %mul3A_693 = arith.constant 1.250000e-01 : f32
    %mul3A_694 = vector.broadcast %mul3A_693 : f32 to vector<16x16xf32>
    %mul3A_695 = arith.mulf %dot_general3A_692, %mul3A_694 : vector<16x16xf32>
    %logistic3A_696 = arith.negf %mul3A_695 : vector<16x16xf32>
    %logistic3A_697 = math.exp %logistic3A_696 : vector<16x16xf32>
    %logistic3A_698 = arith.constant 1.000000e+00 : f32
    %logistic3A_699 = vector.broadcast %logistic3A_698 : f32 to vector<16x16xf32>
    %logistic3A_700 = arith.addf %logistic3A_699, %logistic3A_697 : vector<16x16xf32>
    %logistic3A_701 = arith.divf %logistic3A_699, %logistic3A_700 : vector<16x16xf32>
    %gt3A_702 = arith.constant 5.000000e-01 : f32
    %gt3A_703 = vector.broadcast %gt3A_702 : f32 to vector<16x16xf32>
    %gt3A_704 = arith.cmpf ogt, %logistic3A_701, %gt3A_703 : vector<16x16xf32>
    %or3A_705 = arith.ori %gt3A_704, %eq3A : vector<16x16xi1>
    %jit3A_706 = arith.constant 0.000000e+00 : f32
    %jit3A_707 = arith.constant -1.000000e+30 : f32
    %broadcast_in_dim3A_708 = vector.broadcast %jit3A_706 : f32 to vector<16x16xf32>
    %broadcast_in_dim3A_709 = vector.broadcast %jit3A_707 : f32 to vector<16x16xf32>
    %select_n3A_710 = arith.select %or3A_705, %broadcast_in_dim3A_708, %broadcast_in_dim3A_709 : vector<16x16xi1>, vector<16x16xf32>
    %swap3A_711 = arith.constant 0 : index
    %swap3A_712 = arith.constant 3 : index
    %swap3A_713 = arith.constant 3 : index
    %swap3A_714 = arith.constant 0 : index
    %swap3A_715 = vector.load %arg4[%swap3A_711, %swap3A_712, %swap3A_713, %swap3A_714] : memref<16x8x4x16xf32, #tpu.memory_space<vmem>>, vector<16x1x1x16xf32>
    %swap3A_716 = vector.shape_cast %swap3A_715 : vector<16x1x1x16xf32> to vector<16x16xf32>
    %swap3A_717 = vector.shape_cast %select_n3A_710 : vector<16x16xf32> to vector<16x1x1x16xf32>
    tpu.vector_store %arg4[%swap3A_711, %swap3A_712, %swap3A_713, %swap3A_714], %swap3A_717 {strides = array<i32>} : memref<16x8x4x16xf32, #tpu.memory_space<vmem>>, vector<16x1x1x16xf32>,
    %get3A_718 = arith.constant 16 : index
    %get3A_719 = arith.constant 0 : index
    %get3A_720 = arith.constant 0 : index
    %get3A_721 = vector.load %arg0[%get3A_718, %get3A_719, %get3A_720] : memref<32x16x128xf32, #tpu.memory_space<vmem>>, vector<1x16x128xf32>
    %get3A_722 = vector.shape_cast %get3A_721 : vector<1x16x128xf32> to vector<16x128xf32>
    %convert_element_type3A_723 = arith.truncf %get3A_722 : vector<16x128xf32> to vector<16x128xbf16>
    %dot_general3A_724 = arith.constant dense<0.000000e+00> : vector<16x64xf32>
    %dot_general3A_725 = tpu.matmul %convert_element_type3A_723, %convert_element_type3A, %dot_general3A_724 {dimension_numbers = #tpu.dot_dimension_numbers<[1], [0], [0], [1], [0, 0, 1, 1], [], []>, transpose_lhs_hint = false} : vector<16x128xbf16>, vector<128x64xbf16>, vector<16x64xf32> -> vector<16x64xf32>
    %get3A_726 = arith.constant 16 : index
    %get3A_727 = arith.constant 0 : index
    %get3A_728 = arith.constant 0 : index
    %get3A_729 = vector.load %arg1[%get3A_726, %get3A_727, %get3A_728] : memref<32x16x128xf32, #tpu.memory_space<vmem>>, vector<1x16x128xf32>
    %get3A_730 = vector.shape_cast %get3A_729 : vector<1x16x128xf32> to vector<16x128xf32>
    %convert_element_type3A_731 = arith.truncf %get3A_730 : vector<16x128xf32> to vector<16x128xbf16>
    %dot_general3A_732 = arith.constant dense<0.000000e+00> : vector<16x64xf32>
    %dot_general3A_733 = tpu.matmul %convert_element_type3A_731, %convert_element_type3A_6, %dot_general3A_732 {dimension_numbers = #tpu.dot_dimension_numbers<[1], [0], [0], [1], [0, 0, 1, 1], [], []>, transpose_lhs_hint = false} : vector<16x128xbf16>, vector<128x64xbf16>, vector<16x64xf32> -> vector<16x64xf32>
    %convert_element_type3A_734 = arith.truncf %dot_general3A_725 : vector<16x64xf32> to vector<16x64xbf16>
    %convert_element_type3A_735 = arith.truncf %dot_general3A_733 : vector<16x64xf32> to vector<16x64xbf16>
    %dot_general3A_736 = arith.constant dense<0.000000e+00> : vector<16x16xf32>
    %dot_general3A_737 = tpu.matmul %convert_element_type3A_734, %convert_element_type3A_735, %dot_general3A_736 {dimension_numbers = #tpu.dot_dimension_numbers<[1], [1], [0], [0], [0, 0, 1, 0], [], []>, transpose_lhs_hint = false} : vector<16x64xbf16>, vector<16x64xbf16>, vector<16x16xf32> -> vector<16x16xf32>
    %mul3A_738 = arith.constant 1.250000e-01 : f32
    %mul3A_739 = vector.broadcast %mul3A_738 : f32 to vector<16x16xf32>
    %mul3A_740 = arith.mulf %dot_general3A_737, %mul3A_739 : vector<16x16xf32>
    %logistic3A_741 = arith.negf %mul3A_740 : vector<16x16xf32>
    %logistic3A_742 = math.exp %logistic3A_741 : vector<16x16xf32>
    %logistic3A_743 = arith.constant 1.000000e+00 : f32
    %logistic3A_744 = vector.broadcast %logistic3A_743 : f32 to vector<16x16xf32>
    %logistic3A_745 = arith.addf %logistic3A_744, %logistic3A_742 : vector<16x16xf32>
    %logistic3A_746 = arith.divf %logistic3A_744, %logistic3A_745 : vector<16x16xf32>
    %gt3A_747 = arith.constant 5.000000e-01 : f32
    %gt3A_748 = vector.broadcast %gt3A_747 : f32 to vector<16x16xf32>
    %gt3A_749 = arith.cmpf ogt, %logistic3A_746, %gt3A_748 : vector<16x16xf32>
    %or3A_750 = arith.ori %gt3A_749, %eq3A : vector<16x16xi1>
    %jit3A_751 = arith.constant 0.000000e+00 : f32
    %jit3A_752 = arith.constant -1.000000e+30 : f32
    %broadcast_in_dim3A_753 = vector.broadcast %jit3A_751 : f32 to vector<16x16xf32>
    %broadcast_in_dim3A_754 = vector.broadcast %jit3A_752 : f32 to vector<16x16xf32>
    %select_n3A_755 = arith.select %or3A_750, %broadcast_in_dim3A_753, %broadcast_in_dim3A_754 : vector<16x16xi1>, vector<16x16xf32>
    %swap3A_756 = arith.constant 0 : index
    %swap3A_757 = arith.constant 4 : index
    %swap3A_758 = arith.constant 0 : index
    %swap3A_759 = arith.constant 0 : index
    %swap3A_760 = vector.load %arg4[%swap3A_756, %swap3A_757, %swap3A_758, %swap3A_759] : memref<16x8x4x16xf32, #tpu.memory_space<vmem>>, vector<16x1x1x16xf32>
    %swap3A_761 = vector.shape_cast %swap3A_760 : vector<16x1x1x16xf32> to vector<16x16xf32>
    %swap3A_762 = vector.shape_cast %select_n3A_755 : vector<16x16xf32> to vector<16x1x1x16xf32>
    tpu.vector_store %arg4[%swap3A_756, %swap3A_757, %swap3A_758, %swap3A_759], %swap3A_762 {strides = array<i32>} : memref<16x8x4x16xf32, #tpu.memory_space<vmem>>, vector<16x1x1x16xf32>,
    %get3A_763 = arith.constant 17 : index
    %get3A_764 = arith.constant 0 : index
    %get3A_765 = arith.constant 0 : index
    %get3A_766 = vector.load %arg0[%get3A_763, %get3A_764, %get3A_765] : memref<32x16x128xf32, #tpu.memory_space<vmem>>, vector<1x16x128xf32>
    %get3A_767 = vector.shape_cast %get3A_766 : vector<1x16x128xf32> to vector<16x128xf32>
    %convert_element_type3A_768 = arith.truncf %get3A_767 : vector<16x128xf32> to vector<16x128xbf16>
    %dot_general3A_769 = arith.constant dense<0.000000e+00> : vector<16x64xf32>
    %dot_general3A_770 = tpu.matmul %convert_element_type3A_768, %convert_element_type3A, %dot_general3A_769 {dimension_numbers = #tpu.dot_dimension_numbers<[1], [0], [0], [1], [0, 0, 1, 1], [], []>, transpose_lhs_hint = false} : vector<16x128xbf16>, vector<128x64xbf16>, vector<16x64xf32> -> vector<16x64xf32>
    %get3A_771 = arith.constant 17 : index
    %get3A_772 = arith.constant 0 : index
    %get3A_773 = arith.constant 0 : index
    %get3A_774 = vector.load %arg1[%get3A_771, %get3A_772, %get3A_773] : memref<32x16x128xf32, #tpu.memory_space<vmem>>, vector<1x16x128xf32>
    %get3A_775 = vector.shape_cast %get3A_774 : vector<1x16x128xf32> to vector<16x128xf32>
    %convert_element_type3A_776 = arith.truncf %get3A_775 : vector<16x128xf32> to vector<16x128xbf16>
    %dot_general3A_777 = arith.constant dense<0.000000e+00> : vector<16x64xf32>
    %dot_general3A_778 = tpu.matmul %convert_element_type3A_776, %convert_element_type3A_6, %dot_general3A_777 {dimension_numbers = #tpu.dot_dimension_numbers<[1], [0], [0], [1], [0, 0, 1, 1], [], []>, transpose_lhs_hint = false} : vector<16x128xbf16>, vector<128x64xbf16>, vector<16x64xf32> -> vector<16x64xf32>
    %convert_element_type3A_779 = arith.truncf %dot_general3A_770 : vector<16x64xf32> to vector<16x64xbf16>
    %convert_element_type3A_780 = arith.truncf %dot_general3A_778 : vector<16x64xf32> to vector<16x64xbf16>
    %dot_general3A_781 = arith.constant dense<0.000000e+00> : vector<16x16xf32>
    %dot_general3A_782 = tpu.matmul %convert_element_type3A_779, %convert_element_type3A_780, %dot_general3A_781 {dimension_numbers = #tpu.dot_dimension_numbers<[1], [1], [0], [0], [0, 0, 1, 0], [], []>, transpose_lhs_hint = false} : vector<16x64xbf16>, vector<16x64xbf16>, vector<16x16xf32> -> vector<16x16xf32>
    %mul3A_783 = arith.constant 1.250000e-01 : f32
    %mul3A_784 = vector.broadcast %mul3A_783 : f32 to vector<16x16xf32>
    %mul3A_785 = arith.mulf %dot_general3A_782, %mul3A_784 : vector<16x16xf32>
    %logistic3A_786 = arith.negf %mul3A_785 : vector<16x16xf32>
    %logistic3A_787 = math.exp %logistic3A_786 : vector<16x16xf32>
    %logistic3A_788 = arith.constant 1.000000e+00 : f32
    %logistic3A_789 = vector.broadcast %logistic3A_788 : f32 to vector<16x16xf32>
    %logistic3A_790 = arith.addf %logistic3A_789, %logistic3A_787 : vector<16x16xf32>
    %logistic3A_791 = arith.divf %logistic3A_789, %logistic3A_790 : vector<16x16xf32>
    %gt3A_792 = arith.constant 5.000000e-01 : f32
    %gt3A_793 = vector.broadcast %gt3A_792 : f32 to vector<16x16xf32>
    %gt3A_794 = arith.cmpf ogt, %logistic3A_791, %gt3A_793 : vector<16x16xf32>
    %or3A_795 = arith.ori %gt3A_794, %eq3A : vector<16x16xi1>
    %jit3A_796 = arith.constant 0.000000e+00 : f32
    %jit3A_797 = arith.constant -1.000000e+30 : f32
    %broadcast_in_dim3A_798 = vector.broadcast %jit3A_796 : f32 to vector<16x16xf32>
    %broadcast_in_dim3A_799 = vector.broadcast %jit3A_797 : f32 to vector<16x16xf32>
    %select_n3A_800 = arith.select %or3A_795, %broadcast_in_dim3A_798, %broadcast_in_dim3A_799 : vector<16x16xi1>, vector<16x16xf32>
    %swap3A_801 = arith.constant 0 : index
    %swap3A_802 = arith.constant 4 : index
    %swap3A_803 = arith.constant 1 : index
    %swap3A_804 = arith.constant 0 : index
    %swap3A_805 = vector.load %arg4[%swap3A_801, %swap3A_802, %swap3A_803, %swap3A_804] : memref<16x8x4x16xf32, #tpu.memory_space<vmem>>, vector<16x1x1x16xf32>
    %swap3A_806 = vector.shape_cast %swap3A_805 : vector<16x1x1x16xf32> to vector<16x16xf32>
    %swap3A_807 = vector.shape_cast %select_n3A_800 : vector<16x16xf32> to vector<16x1x1x16xf32>
    tpu.vector_store %arg4[%swap3A_801, %swap3A_802, %swap3A_803, %swap3A_804], %swap3A_807 {strides = array<i32>} : memref<16x8x4x16xf32, #tpu.memory_space<vmem>>, vector<16x1x1x16xf32>,
    %get3A_808 = arith.constant 18 : index
    %get3A_809 = arith.constant 0 : index
    %get3A_810 = arith.constant 0 : index
    %get3A_811 = vector.load %arg0[%get3A_808, %get3A_809, %get3A_810] : memref<32x16x128xf32, #tpu.memory_space<vmem>>, vector<1x16x128xf32>
    %get3A_812 = vector.shape_cast %get3A_811 : vector<1x16x128xf32> to vector<16x128xf32>
    %convert_element_type3A_813 = arith.truncf %get3A_812 : vector<16x128xf32> to vector<16x128xbf16>
    %dot_general3A_814 = arith.constant dense<0.000000e+00> : vector<16x64xf32>
    %dot_general3A_815 = tpu.matmul %convert_element_type3A_813, %convert_element_type3A, %dot_general3A_814 {dimension_numbers = #tpu.dot_dimension_numbers<[1], [0], [0], [1], [0, 0, 1, 1], [], []>, transpose_lhs_hint = false} : vector<16x128xbf16>, vector<128x64xbf16>, vector<16x64xf32> -> vector<16x64xf32>
    %get3A_816 = arith.constant 18 : index
    %get3A_817 = arith.constant 0 : index
    %get3A_818 = arith.constant 0 : index
    %get3A_819 = vector.load %arg1[%get3A_816, %get3A_817, %get3A_818] : memref<32x16x128xf32, #tpu.memory_space<vmem>>, vector<1x16x128xf32>
    %get3A_820 = vector.shape_cast %get3A_819 : vector<1x16x128xf32> to vector<16x128xf32>
    %convert_element_type3A_821 = arith.truncf %get3A_820 : vector<16x128xf32> to vector<16x128xbf16>
    %dot_general3A_822 = arith.constant dense<0.000000e+00> : vector<16x64xf32>
    %dot_general3A_823 = tpu.matmul %convert_element_type3A_821, %convert_element_type3A_6, %dot_general3A_822 {dimension_numbers = #tpu.dot_dimension_numbers<[1], [0], [0], [1], [0, 0, 1, 1], [], []>, transpose_lhs_hint = false} : vector<16x128xbf16>, vector<128x64xbf16>, vector<16x64xf32> -> vector<16x64xf32>
    %convert_element_type3A_824 = arith.truncf %dot_general3A_815 : vector<16x64xf32> to vector<16x64xbf16>
    %convert_element_type3A_825 = arith.truncf %dot_general3A_823 : vector<16x64xf32> to vector<16x64xbf16>
    %dot_general3A_826 = arith.constant dense<0.000000e+00> : vector<16x16xf32>
    %dot_general3A_827 = tpu.matmul %convert_element_type3A_824, %convert_element_type3A_825, %dot_general3A_826 {dimension_numbers = #tpu.dot_dimension_numbers<[1], [1], [0], [0], [0, 0, 1, 0], [], []>, transpose_lhs_hint = false} : vector<16x64xbf16>, vector<16x64xbf16>, vector<16x16xf32> -> vector<16x16xf32>
    %mul3A_828 = arith.constant 1.250000e-01 : f32
    %mul3A_829 = vector.broadcast %mul3A_828 : f32 to vector<16x16xf32>
    %mul3A_830 = arith.mulf %dot_general3A_827, %mul3A_829 : vector<16x16xf32>
    %logistic3A_831 = arith.negf %mul3A_830 : vector<16x16xf32>
    %logistic3A_832 = math.exp %logistic3A_831 : vector<16x16xf32>
    %logistic3A_833 = arith.constant 1.000000e+00 : f32
    %logistic3A_834 = vector.broadcast %logistic3A_833 : f32 to vector<16x16xf32>
    %logistic3A_835 = arith.addf %logistic3A_834, %logistic3A_832 : vector<16x16xf32>
    %logistic3A_836 = arith.divf %logistic3A_834, %logistic3A_835 : vector<16x16xf32>
    %gt3A_837 = arith.constant 5.000000e-01 : f32
    %gt3A_838 = vector.broadcast %gt3A_837 : f32 to vector<16x16xf32>
    %gt3A_839 = arith.cmpf ogt, %logistic3A_836, %gt3A_838 : vector<16x16xf32>
    %or3A_840 = arith.ori %gt3A_839, %eq3A : vector<16x16xi1>
    %jit3A_841 = arith.constant 0.000000e+00 : f32
    %jit3A_842 = arith.constant -1.000000e+30 : f32
    %broadcast_in_dim3A_843 = vector.broadcast %jit3A_841 : f32 to vector<16x16xf32>
    %broadcast_in_dim3A_844 = vector.broadcast %jit3A_842 : f32 to vector<16x16xf32>
    %select_n3A_845 = arith.select %or3A_840, %broadcast_in_dim3A_843, %broadcast_in_dim3A_844 : vector<16x16xi1>, vector<16x16xf32>
    %swap3A_846 = arith.constant 0 : index
    %swap3A_847 = arith.constant 4 : index
    %swap3A_848 = arith.constant 2 : index
    %swap3A_849 = arith.constant 0 : index
    %swap3A_850 = vector.load %arg4[%swap3A_846, %swap3A_847, %swap3A_848, %swap3A_849] : memref<16x8x4x16xf32, #tpu.memory_space<vmem>>, vector<16x1x1x16xf32>
    %swap3A_851 = vector.shape_cast %swap3A_850 : vector<16x1x1x16xf32> to vector<16x16xf32>
    %swap3A_852 = vector.shape_cast %select_n3A_845 : vector<16x16xf32> to vector<16x1x1x16xf32>
    tpu.vector_store %arg4[%swap3A_846, %swap3A_847, %swap3A_848, %swap3A_849], %swap3A_852 {strides = array<i32>} : memref<16x8x4x16xf32, #tpu.memory_space<vmem>>, vector<16x1x1x16xf32>,
    %get3A_853 = arith.constant 19 : index
    %get3A_854 = arith.constant 0 : index
    %get3A_855 = arith.constant 0 : index
    %get3A_856 = vector.load %arg0[%get3A_853, %get3A_854, %get3A_855] : memref<32x16x128xf32, #tpu.memory_space<vmem>>, vector<1x16x128xf32>
    %get3A_857 = vector.shape_cast %get3A_856 : vector<1x16x128xf32> to vector<16x128xf32>
    %convert_element_type3A_858 = arith.truncf %get3A_857 : vector<16x128xf32> to vector<16x128xbf16>
    %dot_general3A_859 = arith.constant dense<0.000000e+00> : vector<16x64xf32>
    %dot_general3A_860 = tpu.matmul %convert_element_type3A_858, %convert_element_type3A, %dot_general3A_859 {dimension_numbers = #tpu.dot_dimension_numbers<[1], [0], [0], [1], [0, 0, 1, 1], [], []>, transpose_lhs_hint = false} : vector<16x128xbf16>, vector<128x64xbf16>, vector<16x64xf32> -> vector<16x64xf32>
    %get3A_861 = arith.constant 19 : index
    %get3A_862 = arith.constant 0 : index
    %get3A_863 = arith.constant 0 : index
    %get3A_864 = vector.load %arg1[%get3A_861, %get3A_862, %get3A_863] : memref<32x16x128xf32, #tpu.memory_space<vmem>>, vector<1x16x128xf32>
    %get3A_865 = vector.shape_cast %get3A_864 : vector<1x16x128xf32> to vector<16x128xf32>
    %convert_element_type3A_866 = arith.truncf %get3A_865 : vector<16x128xf32> to vector<16x128xbf16>
    %dot_general3A_867 = arith.constant dense<0.000000e+00> : vector<16x64xf32>
    %dot_general3A_868 = tpu.matmul %convert_element_type3A_866, %convert_element_type3A_6, %dot_general3A_867 {dimension_numbers = #tpu.dot_dimension_numbers<[1], [0], [0], [1], [0, 0, 1, 1], [], []>, transpose_lhs_hint = false} : vector<16x128xbf16>, vector<128x64xbf16>, vector<16x64xf32> -> vector<16x64xf32>
    %convert_element_type3A_869 = arith.truncf %dot_general3A_860 : vector<16x64xf32> to vector<16x64xbf16>
    %convert_element_type3A_870 = arith.truncf %dot_general3A_868 : vector<16x64xf32> to vector<16x64xbf16>
    %dot_general3A_871 = arith.constant dense<0.000000e+00> : vector<16x16xf32>
    %dot_general3A_872 = tpu.matmul %convert_element_type3A_869, %convert_element_type3A_870, %dot_general3A_871 {dimension_numbers = #tpu.dot_dimension_numbers<[1], [1], [0], [0], [0, 0, 1, 0], [], []>, transpose_lhs_hint = false} : vector<16x64xbf16>, vector<16x64xbf16>, vector<16x16xf32> -> vector<16x16xf32>
    %mul3A_873 = arith.constant 1.250000e-01 : f32
    %mul3A_874 = vector.broadcast %mul3A_873 : f32 to vector<16x16xf32>
    %mul3A_875 = arith.mulf %dot_general3A_872, %mul3A_874 : vector<16x16xf32>
    %logistic3A_876 = arith.negf %mul3A_875 : vector<16x16xf32>
    %logistic3A_877 = math.exp %logistic3A_876 : vector<16x16xf32>
    %logistic3A_878 = arith.constant 1.000000e+00 : f32
    %logistic3A_879 = vector.broadcast %logistic3A_878 : f32 to vector<16x16xf32>
    %logistic3A_880 = arith.addf %logistic3A_879, %logistic3A_877 : vector<16x16xf32>
    %logistic3A_881 = arith.divf %logistic3A_879, %logistic3A_880 : vector<16x16xf32>
    %gt3A_882 = arith.constant 5.000000e-01 : f32
    %gt3A_883 = vector.broadcast %gt3A_882 : f32 to vector<16x16xf32>
    %gt3A_884 = arith.cmpf ogt, %logistic3A_881, %gt3A_883 : vector<16x16xf32>
    %or3A_885 = arith.ori %gt3A_884, %eq3A : vector<16x16xi1>
    %jit3A_886 = arith.constant 0.000000e+00 : f32
    %jit3A_887 = arith.constant -1.000000e+30 : f32
    %broadcast_in_dim3A_888 = vector.broadcast %jit3A_886 : f32 to vector<16x16xf32>
    %broadcast_in_dim3A_889 = vector.broadcast %jit3A_887 : f32 to vector<16x16xf32>
    %select_n3A_890 = arith.select %or3A_885, %broadcast_in_dim3A_888, %broadcast_in_dim3A_889 : vector<16x16xi1>, vector<16x16xf32>
    %swap3A_891 = arith.constant 0 : index
    %swap3A_892 = arith.constant 4 : index
    %swap3A_893 = arith.constant 3 : index
    %swap3A_894 = arith.constant 0 : index
    %swap3A_895 = vector.load %arg4[%swap3A_891, %swap3A_892, %swap3A_893, %swap3A_894] : memref<16x8x4x16xf32, #tpu.memory_space<vmem>>, vector<16x1x1x16xf32>
    %swap3A_896 = vector.shape_cast %swap3A_895 : vector<16x1x1x16xf32> to vector<16x16xf32>
    %swap3A_897 = vector.shape_cast %select_n3A_890 : vector<16x16xf32> to vector<16x1x1x16xf32>
    tpu.vector_store %arg4[%swap3A_891, %swap3A_892, %swap3A_893, %swap3A_894], %swap3A_897 {strides = array<i32>} : memref<16x8x4x16xf32, #tpu.memory_space<vmem>>, vector<16x1x1x16xf32>,
    %get3A_898 = arith.constant 20 : index
    %get3A_899 = arith.constant 0 : index
    %get3A_900 = arith.constant 0 : index
    %get3A_901 = vector.load %arg0[%get3A_898, %get3A_899, %get3A_900] : memref<32x16x128xf32, #tpu.memory_space<vmem>>, vector<1x16x128xf32>
    %get3A_902 = vector.shape_cast %get3A_901 : vector<1x16x128xf32> to vector<16x128xf32>
    %convert_element_type3A_903 = arith.truncf %get3A_902 : vector<16x128xf32> to vector<16x128xbf16>
    %dot_general3A_904 = arith.constant dense<0.000000e+00> : vector<16x64xf32>
    %dot_general3A_905 = tpu.matmul %convert_element_type3A_903, %convert_element_type3A, %dot_general3A_904 {dimension_numbers = #tpu.dot_dimension_numbers<[1], [0], [0], [1], [0, 0, 1, 1], [], []>, transpose_lhs_hint = false} : vector<16x128xbf16>, vector<128x64xbf16>, vector<16x64xf32> -> vector<16x64xf32>
    %get3A_906 = arith.constant 20 : index
    %get3A_907 = arith.constant 0 : index
    %get3A_908 = arith.constant 0 : index
    %get3A_909 = vector.load %arg1[%get3A_906, %get3A_907, %get3A_908] : memref<32x16x128xf32, #tpu.memory_space<vmem>>, vector<1x16x128xf32>
    %get3A_910 = vector.shape_cast %get3A_909 : vector<1x16x128xf32> to vector<16x128xf32>
    %convert_element_type3A_911 = arith.truncf %get3A_910 : vector<16x128xf32> to vector<16x128xbf16>
    %dot_general3A_912 = arith.constant dense<0.000000e+00> : vector<16x64xf32>
    %dot_general3A_913 = tpu.matmul %convert_element_type3A_911, %convert_element_type3A_6, %dot_general3A_912 {dimension_numbers = #tpu.dot_dimension_numbers<[1], [0], [0], [1], [0, 0, 1, 1], [], []>, transpose_lhs_hint = false} : vector<16x128xbf16>, vector<128x64xbf16>, vector<16x64xf32> -> vector<16x64xf32>
    %convert_element_type3A_914 = arith.truncf %dot_general3A_905 : vector<16x64xf32> to vector<16x64xbf16>
    %convert_element_type3A_915 = arith.truncf %dot_general3A_913 : vector<16x64xf32> to vector<16x64xbf16>
    %dot_general3A_916 = arith.constant dense<0.000000e+00> : vector<16x16xf32>
    %dot_general3A_917 = tpu.matmul %convert_element_type3A_914, %convert_element_type3A_915, %dot_general3A_916 {dimension_numbers = #tpu.dot_dimension_numbers<[1], [1], [0], [0], [0, 0, 1, 0], [], []>, transpose_lhs_hint = false} : vector<16x64xbf16>, vector<16x64xbf16>, vector<16x16xf32> -> vector<16x16xf32>
    %mul3A_918 = arith.constant 1.250000e-01 : f32
    %mul3A_919 = vector.broadcast %mul3A_918 : f32 to vector<16x16xf32>
    %mul3A_920 = arith.mulf %dot_general3A_917, %mul3A_919 : vector<16x16xf32>
    %logistic3A_921 = arith.negf %mul3A_920 : vector<16x16xf32>
    %logistic3A_922 = math.exp %logistic3A_921 : vector<16x16xf32>
    %logistic3A_923 = arith.constant 1.000000e+00 : f32
    %logistic3A_924 = vector.broadcast %logistic3A_923 : f32 to vector<16x16xf32>
    %logistic3A_925 = arith.addf %logistic3A_924, %logistic3A_922 : vector<16x16xf32>
    %logistic3A_926 = arith.divf %logistic3A_924, %logistic3A_925 : vector<16x16xf32>
    %gt3A_927 = arith.constant 5.000000e-01 : f32
    %gt3A_928 = vector.broadcast %gt3A_927 : f32 to vector<16x16xf32>
    %gt3A_929 = arith.cmpf ogt, %logistic3A_926, %gt3A_928 : vector<16x16xf32>
    %or3A_930 = arith.ori %gt3A_929, %eq3A : vector<16x16xi1>
    %jit3A_931 = arith.constant 0.000000e+00 : f32
    %jit3A_932 = arith.constant -1.000000e+30 : f32
    %broadcast_in_dim3A_933 = vector.broadcast %jit3A_931 : f32 to vector<16x16xf32>
    %broadcast_in_dim3A_934 = vector.broadcast %jit3A_932 : f32 to vector<16x16xf32>
    %select_n3A_935 = arith.select %or3A_930, %broadcast_in_dim3A_933, %broadcast_in_dim3A_934 : vector<16x16xi1>, vector<16x16xf32>
    %swap3A_936 = arith.constant 0 : index
    %swap3A_937 = arith.constant 5 : index
    %swap3A_938 = arith.constant 0 : index
    %swap3A_939 = arith.constant 0 : index
    %swap3A_940 = vector.load %arg4[%swap3A_936, %swap3A_937, %swap3A_938, %swap3A_939] : memref<16x8x4x16xf32, #tpu.memory_space<vmem>>, vector<16x1x1x16xf32>
    %swap3A_941 = vector.shape_cast %swap3A_940 : vector<16x1x1x16xf32> to vector<16x16xf32>
    %swap3A_942 = vector.shape_cast %select_n3A_935 : vector<16x16xf32> to vector<16x1x1x16xf32>
    tpu.vector_store %arg4[%swap3A_936, %swap3A_937, %swap3A_938, %swap3A_939], %swap3A_942 {strides = array<i32>} : memref<16x8x4x16xf32, #tpu.memory_space<vmem>>, vector<16x1x1x16xf32>,
    %get3A_943 = arith.constant 21 : index
    %get3A_944 = arith.constant 0 : index
    %get3A_945 = arith.constant 0 : index
    %get3A_946 = vector.load %arg0[%get3A_943, %get3A_944, %get3A_945] : memref<32x16x128xf32, #tpu.memory_space<vmem>>, vector<1x16x128xf32>
    %get3A_947 = vector.shape_cast %get3A_946 : vector<1x16x128xf32> to vector<16x128xf32>
    %convert_element_type3A_948 = arith.truncf %get3A_947 : vector<16x128xf32> to vector<16x128xbf16>
    %dot_general3A_949 = arith.constant dense<0.000000e+00> : vector<16x64xf32>
    %dot_general3A_950 = tpu.matmul %convert_element_type3A_948, %convert_element_type3A, %dot_general3A_949 {dimension_numbers = #tpu.dot_dimension_numbers<[1], [0], [0], [1], [0, 0, 1, 1], [], []>, transpose_lhs_hint = false} : vector<16x128xbf16>, vector<128x64xbf16>, vector<16x64xf32> -> vector<16x64xf32>
    %get3A_951 = arith.constant 21 : index
    %get3A_952 = arith.constant 0 : index
    %get3A_953 = arith.constant 0 : index
    %get3A_954 = vector.load %arg1[%get3A_951, %get3A_952, %get3A_953] : memref<32x16x128xf32, #tpu.memory_space<vmem>>, vector<1x16x128xf32>
    %get3A_955 = vector.shape_cast %get3A_954 : vector<1x16x128xf32> to vector<16x128xf32>
    %convert_element_type3A_956 = arith.truncf %get3A_955 : vector<16x128xf32> to vector<16x128xbf16>
    %dot_general3A_957 = arith.constant dense<0.000000e+00> : vector<16x64xf32>
    %dot_general3A_958 = tpu.matmul %convert_element_type3A_956, %convert_element_type3A_6, %dot_general3A_957 {dimension_numbers = #tpu.dot_dimension_numbers<[1], [0], [0], [1], [0, 0, 1, 1], [], []>, transpose_lhs_hint = false} : vector<16x128xbf16>, vector<128x64xbf16>, vector<16x64xf32> -> vector<16x64xf32>
    %convert_element_type3A_959 = arith.truncf %dot_general3A_950 : vector<16x64xf32> to vector<16x64xbf16>
    %convert_element_type3A_960 = arith.truncf %dot_general3A_958 : vector<16x64xf32> to vector<16x64xbf16>
    %dot_general3A_961 = arith.constant dense<0.000000e+00> : vector<16x16xf32>
    %dot_general3A_962 = tpu.matmul %convert_element_type3A_959, %convert_element_type3A_960, %dot_general3A_961 {dimension_numbers = #tpu.dot_dimension_numbers<[1], [1], [0], [0], [0, 0, 1, 0], [], []>, transpose_lhs_hint = false} : vector<16x64xbf16>, vector<16x64xbf16>, vector<16x16xf32> -> vector<16x16xf32>
    %mul3A_963 = arith.constant 1.250000e-01 : f32
    %mul3A_964 = vector.broadcast %mul3A_963 : f32 to vector<16x16xf32>
    %mul3A_965 = arith.mulf %dot_general3A_962, %mul3A_964 : vector<16x16xf32>
    %logistic3A_966 = arith.negf %mul3A_965 : vector<16x16xf32>
    %logistic3A_967 = math.exp %logistic3A_966 : vector<16x16xf32>
    %logistic3A_968 = arith.constant 1.000000e+00 : f32
    %logistic3A_969 = vector.broadcast %logistic3A_968 : f32 to vector<16x16xf32>
    %logistic3A_970 = arith.addf %logistic3A_969, %logistic3A_967 : vector<16x16xf32>
    %logistic3A_971 = arith.divf %logistic3A_969, %logistic3A_970 : vector<16x16xf32>
    %gt3A_972 = arith.constant 5.000000e-01 : f32
    %gt3A_973 = vector.broadcast %gt3A_972 : f32 to vector<16x16xf32>
    %gt3A_974 = arith.cmpf ogt, %logistic3A_971, %gt3A_973 : vector<16x16xf32>
    %or3A_975 = arith.ori %gt3A_974, %eq3A : vector<16x16xi1>
    %jit3A_976 = arith.constant 0.000000e+00 : f32
    %jit3A_977 = arith.constant -1.000000e+30 : f32
    %broadcast_in_dim3A_978 = vector.broadcast %jit3A_976 : f32 to vector<16x16xf32>
    %broadcast_in_dim3A_979 = vector.broadcast %jit3A_977 : f32 to vector<16x16xf32>
    %select_n3A_980 = arith.select %or3A_975, %broadcast_in_dim3A_978, %broadcast_in_dim3A_979 : vector<16x16xi1>, vector<16x16xf32>
    %swap3A_981 = arith.constant 0 : index
    %swap3A_982 = arith.constant 5 : index
    %swap3A_983 = arith.constant 1 : index
    %swap3A_984 = arith.constant 0 : index
    %swap3A_985 = vector.load %arg4[%swap3A_981, %swap3A_982, %swap3A_983, %swap3A_984] : memref<16x8x4x16xf32, #tpu.memory_space<vmem>>, vector<16x1x1x16xf32>
    %swap3A_986 = vector.shape_cast %swap3A_985 : vector<16x1x1x16xf32> to vector<16x16xf32>
    %swap3A_987 = vector.shape_cast %select_n3A_980 : vector<16x16xf32> to vector<16x1x1x16xf32>
    tpu.vector_store %arg4[%swap3A_981, %swap3A_982, %swap3A_983, %swap3A_984], %swap3A_987 {strides = array<i32>} : memref<16x8x4x16xf32, #tpu.memory_space<vmem>>, vector<16x1x1x16xf32>,
    %get3A_988 = arith.constant 22 : index
    %get3A_989 = arith.constant 0 : index
    %get3A_990 = arith.constant 0 : index
    %get3A_991 = vector.load %arg0[%get3A_988, %get3A_989, %get3A_990] : memref<32x16x128xf32, #tpu.memory_space<vmem>>, vector<1x16x128xf32>
    %get3A_992 = vector.shape_cast %get3A_991 : vector<1x16x128xf32> to vector<16x128xf32>
    %convert_element_type3A_993 = arith.truncf %get3A_992 : vector<16x128xf32> to vector<16x128xbf16>
    %dot_general3A_994 = arith.constant dense<0.000000e+00> : vector<16x64xf32>
    %dot_general3A_995 = tpu.matmul %convert_element_type3A_993, %convert_element_type3A, %dot_general3A_994 {dimension_numbers = #tpu.dot_dimension_numbers<[1], [0], [0], [1], [0, 0, 1, 1], [], []>, transpose_lhs_hint = false} : vector<16x128xbf16>, vector<128x64xbf16>, vector<16x64xf32> -> vector<16x64xf32>
    %get3A_996 = arith.constant 22 : index
    %get3A_997 = arith.constant 0 : index
    %get3A_998 = arith.constant 0 : index
    %get3A_999 = vector.load %arg1[%get3A_996, %get3A_997, %get3A_998] : memref<32x16x128xf32, #tpu.memory_space<vmem>>, vector<1x16x128xf32>
    %get3A_1000 = vector.shape_cast %get3A_999 : vector<1x16x128xf32> to vector<16x128xf32>
    %convert_element_type3A_1001 = arith.truncf %get3A_1000 : vector<16x128xf32> to vector<16x128xbf16>
    %dot_general3A_1002 = arith.constant dense<0.000000e+00> : vector<16x64xf32>
    %dot_general3A_1003 = tpu.matmul %convert_element_type3A_1001, %convert_element_type3A_6, %dot_general3A_1002 {dimension_numbers = #tpu.dot_dimension_numbers<[1], [0], [0], [1], [0, 0, 1, 1], [], []>, transpose_lhs_hint = false} : vector<16x128xbf16>, vector<128x64xbf16>, vector<16x64xf32> -> vector<16x64xf32>
    %convert_element_type3A_1004 = arith.truncf %dot_general3A_995 : vector<16x64xf32> to vector<16x64xbf16>
    %convert_element_type3A_1005 = arith.truncf %dot_general3A_1003 : vector<16x64xf32> to vector<16x64xbf16>
    %dot_general3A_1006 = arith.constant dense<0.000000e+00> : vector<16x16xf32>
    %dot_general3A_1007 = tpu.matmul %convert_element_type3A_1004, %convert_element_type3A_1005, %dot_general3A_1006 {dimension_numbers = #tpu.dot_dimension_numbers<[1], [1], [0], [0], [0, 0, 1, 0], [], []>, transpose_lhs_hint = false} : vector<16x64xbf16>, vector<16x64xbf16>, vector<16x16xf32> -> vector<16x16xf32>
    %mul3A_1008 = arith.constant 1.250000e-01 : f32
    %mul3A_1009 = vector.broadcast %mul3A_1008 : f32 to vector<16x16xf32>
    %mul3A_1010 = arith.mulf %dot_general3A_1007, %mul3A_1009 : vector<16x16xf32>
    %logistic3A_1011 = arith.negf %mul3A_1010 : vector<16x16xf32>
    %logistic3A_1012 = math.exp %logistic3A_1011 : vector<16x16xf32>
    %logistic3A_1013 = arith.constant 1.000000e+00 : f32
    %logistic3A_1014 = vector.broadcast %logistic3A_1013 : f32 to vector<16x16xf32>
    %logistic3A_1015 = arith.addf %logistic3A_1014, %logistic3A_1012 : vector<16x16xf32>
    %logistic3A_1016 = arith.divf %logistic3A_1014, %logistic3A_1015 : vector<16x16xf32>
    %gt3A_1017 = arith.constant 5.000000e-01 : f32
    %gt3A_1018 = vector.broadcast %gt3A_1017 : f32 to vector<16x16xf32>
    %gt3A_1019 = arith.cmpf ogt, %logistic3A_1016, %gt3A_1018 : vector<16x16xf32>
    %or3A_1020 = arith.ori %gt3A_1019, %eq3A : vector<16x16xi1>
    %jit3A_1021 = arith.constant 0.000000e+00 : f32
    %jit3A_1022 = arith.constant -1.000000e+30 : f32
    %broadcast_in_dim3A_1023 = vector.broadcast %jit3A_1021 : f32 to vector<16x16xf32>
    %broadcast_in_dim3A_1024 = vector.broadcast %jit3A_1022 : f32 to vector<16x16xf32>
    %select_n3A_1025 = arith.select %or3A_1020, %broadcast_in_dim3A_1023, %broadcast_in_dim3A_1024 : vector<16x16xi1>, vector<16x16xf32>
    %swap3A_1026 = arith.constant 0 : index
    %swap3A_1027 = arith.constant 5 : index
    %swap3A_1028 = arith.constant 2 : index
    %swap3A_1029 = arith.constant 0 : index
    %swap3A_1030 = vector.load %arg4[%swap3A_1026, %swap3A_1027, %swap3A_1028, %swap3A_1029] : memref<16x8x4x16xf32, #tpu.memory_space<vmem>>, vector<16x1x1x16xf32>
    %swap3A_1031 = vector.shape_cast %swap3A_1030 : vector<16x1x1x16xf32> to vector<16x16xf32>
    %swap3A_1032 = vector.shape_cast %select_n3A_1025 : vector<16x16xf32> to vector<16x1x1x16xf32>
    tpu.vector_store %arg4[%swap3A_1026, %swap3A_1027, %swap3A_1028, %swap3A_1029], %swap3A_1032 {strides = array<i32>} : memref<16x8x4x16xf32, #tpu.memory_space<vmem>>, vector<16x1x1x16xf32>,
    %get3A_1033 = arith.constant 23 : index
    %get3A_1034 = arith.constant 0 : index
    %get3A_1035 = arith.constant 0 : index
    %get3A_1036 = vector.load %arg0[%get3A_1033, %get3A_1034, %get3A_1035] : memref<32x16x128xf32, #tpu.memory_space<vmem>>, vector<1x16x128xf32>
    %get3A_1037 = vector.shape_cast %get3A_1036 : vector<1x16x128xf32> to vector<16x128xf32>
    %convert_element_type3A_1038 = arith.truncf %get3A_1037 : vector<16x128xf32> to vector<16x128xbf16>
    %dot_general3A_1039 = arith.constant dense<0.000000e+00> : vector<16x64xf32>
    %dot_general3A_1040 = tpu.matmul %convert_element_type3A_1038, %convert_element_type3A, %dot_general3A_1039 {dimension_numbers = #tpu.dot_dimension_numbers<[1], [0], [0], [1], [0, 0, 1, 1], [], []>, transpose_lhs_hint = false} : vector<16x128xbf16>, vector<128x64xbf16>, vector<16x64xf32> -> vector<16x64xf32>
    %get3A_1041 = arith.constant 23 : index
    %get3A_1042 = arith.constant 0 : index
    %get3A_1043 = arith.constant 0 : index
    %get3A_1044 = vector.load %arg1[%get3A_1041, %get3A_1042, %get3A_1043] : memref<32x16x128xf32, #tpu.memory_space<vmem>>, vector<1x16x128xf32>
    %get3A_1045 = vector.shape_cast %get3A_1044 : vector<1x16x128xf32> to vector<16x128xf32>
    %convert_element_type3A_1046 = arith.truncf %get3A_1045 : vector<16x128xf32> to vector<16x128xbf16>
    %dot_general3A_1047 = arith.constant dense<0.000000e+00> : vector<16x64xf32>
    %dot_general3A_1048 = tpu.matmul %convert_element_type3A_1046, %convert_element_type3A_6, %dot_general3A_1047 {dimension_numbers = #tpu.dot_dimension_numbers<[1], [0], [0], [1], [0, 0, 1, 1], [], []>, transpose_lhs_hint = false} : vector<16x128xbf16>, vector<128x64xbf16>, vector<16x64xf32> -> vector<16x64xf32>
    %convert_element_type3A_1049 = arith.truncf %dot_general3A_1040 : vector<16x64xf32> to vector<16x64xbf16>
    %convert_element_type3A_1050 = arith.truncf %dot_general3A_1048 : vector<16x64xf32> to vector<16x64xbf16>
    %dot_general3A_1051 = arith.constant dense<0.000000e+00> : vector<16x16xf32>
    %dot_general3A_1052 = tpu.matmul %convert_element_type3A_1049, %convert_element_type3A_1050, %dot_general3A_1051 {dimension_numbers = #tpu.dot_dimension_numbers<[1], [1], [0], [0], [0, 0, 1, 0], [], []>, transpose_lhs_hint = false} : vector<16x64xbf16>, vector<16x64xbf16>, vector<16x16xf32> -> vector<16x16xf32>
    %mul3A_1053 = arith.constant 1.250000e-01 : f32
    %mul3A_1054 = vector.broadcast %mul3A_1053 : f32 to vector<16x16xf32>
    %mul3A_1055 = arith.mulf %dot_general3A_1052, %mul3A_1054 : vector<16x16xf32>
    %logistic3A_1056 = arith.negf %mul3A_1055 : vector<16x16xf32>
    %logistic3A_1057 = math.exp %logistic3A_1056 : vector<16x16xf32>
    %logistic3A_1058 = arith.constant 1.000000e+00 : f32
    %logistic3A_1059 = vector.broadcast %logistic3A_1058 : f32 to vector<16x16xf32>
    %logistic3A_1060 = arith.addf %logistic3A_1059, %logistic3A_1057 : vector<16x16xf32>
    %logistic3A_1061 = arith.divf %logistic3A_1059, %logistic3A_1060 : vector<16x16xf32>
    %gt3A_1062 = arith.constant 5.000000e-01 : f32
    %gt3A_1063 = vector.broadcast %gt3A_1062 : f32 to vector<16x16xf32>
    %gt3A_1064 = arith.cmpf ogt, %logistic3A_1061, %gt3A_1063 : vector<16x16xf32>
    %or3A_1065 = arith.ori %gt3A_1064, %eq3A : vector<16x16xi1>
    %jit3A_1066 = arith.constant 0.000000e+00 : f32
    %jit3A_1067 = arith.constant -1.000000e+30 : f32
    %broadcast_in_dim3A_1068 = vector.broadcast %jit3A_1066 : f32 to vector<16x16xf32>
    %broadcast_in_dim3A_1069 = vector.broadcast %jit3A_1067 : f32 to vector<16x16xf32>
    %select_n3A_1070 = arith.select %or3A_1065, %broadcast_in_dim3A_1068, %broadcast_in_dim3A_1069 : vector<16x16xi1>, vector<16x16xf32>
    %swap3A_1071 = arith.constant 0 : index
    %swap3A_1072 = arith.constant 5 : index
    %swap3A_1073 = arith.constant 3 : index
    %swap3A_1074 = arith.constant 0 : index
    %swap3A_1075 = vector.load %arg4[%swap3A_1071, %swap3A_1072, %swap3A_1073, %swap3A_1074] : memref<16x8x4x16xf32, #tpu.memory_space<vmem>>, vector<16x1x1x16xf32>
    %swap3A_1076 = vector.shape_cast %swap3A_1075 : vector<16x1x1x16xf32> to vector<16x16xf32>
    %swap3A_1077 = vector.shape_cast %select_n3A_1070 : vector<16x16xf32> to vector<16x1x1x16xf32>
    tpu.vector_store %arg4[%swap3A_1071, %swap3A_1072, %swap3A_1073, %swap3A_1074], %swap3A_1077 {strides = array<i32>} : memref<16x8x4x16xf32, #tpu.memory_space<vmem>>, vector<16x1x1x16xf32>,
    %get3A_1078 = arith.constant 24 : index
    %get3A_1079 = arith.constant 0 : index
    %get3A_1080 = arith.constant 0 : index
    %get3A_1081 = vector.load %arg0[%get3A_1078, %get3A_1079, %get3A_1080] : memref<32x16x128xf32, #tpu.memory_space<vmem>>, vector<1x16x128xf32>
    %get3A_1082 = vector.shape_cast %get3A_1081 : vector<1x16x128xf32> to vector<16x128xf32>
    %convert_element_type3A_1083 = arith.truncf %get3A_1082 : vector<16x128xf32> to vector<16x128xbf16>
    %dot_general3A_1084 = arith.constant dense<0.000000e+00> : vector<16x64xf32>
    %dot_general3A_1085 = tpu.matmul %convert_element_type3A_1083, %convert_element_type3A, %dot_general3A_1084 {dimension_numbers = #tpu.dot_dimension_numbers<[1], [0], [0], [1], [0, 0, 1, 1], [], []>, transpose_lhs_hint = false} : vector<16x128xbf16>, vector<128x64xbf16>, vector<16x64xf32> -> vector<16x64xf32>
    %get3A_1086 = arith.constant 24 : index
    %get3A_1087 = arith.constant 0 : index
    %get3A_1088 = arith.constant 0 : index
    %get3A_1089 = vector.load %arg1[%get3A_1086, %get3A_1087, %get3A_1088] : memref<32x16x128xf32, #tpu.memory_space<vmem>>, vector<1x16x128xf32>
    %get3A_1090 = vector.shape_cast %get3A_1089 : vector<1x16x128xf32> to vector<16x128xf32>
    %convert_element_type3A_1091 = arith.truncf %get3A_1090 : vector<16x128xf32> to vector<16x128xbf16>
    %dot_general3A_1092 = arith.constant dense<0.000000e+00> : vector<16x64xf32>
    %dot_general3A_1093 = tpu.matmul %convert_element_type3A_1091, %convert_element_type3A_6, %dot_general3A_1092 {dimension_numbers = #tpu.dot_dimension_numbers<[1], [0], [0], [1], [0, 0, 1, 1], [], []>, transpose_lhs_hint = false} : vector<16x128xbf16>, vector<128x64xbf16>, vector<16x64xf32> -> vector<16x64xf32>
    %convert_element_type3A_1094 = arith.truncf %dot_general3A_1085 : vector<16x64xf32> to vector<16x64xbf16>
    %convert_element_type3A_1095 = arith.truncf %dot_general3A_1093 : vector<16x64xf32> to vector<16x64xbf16>
    %dot_general3A_1096 = arith.constant dense<0.000000e+00> : vector<16x16xf32>
    %dot_general3A_1097 = tpu.matmul %convert_element_type3A_1094, %convert_element_type3A_1095, %dot_general3A_1096 {dimension_numbers = #tpu.dot_dimension_numbers<[1], [1], [0], [0], [0, 0, 1, 0], [], []>, transpose_lhs_hint = false} : vector<16x64xbf16>, vector<16x64xbf16>, vector<16x16xf32> -> vector<16x16xf32>
    %mul3A_1098 = arith.constant 1.250000e-01 : f32
    %mul3A_1099 = vector.broadcast %mul3A_1098 : f32 to vector<16x16xf32>
    %mul3A_1100 = arith.mulf %dot_general3A_1097, %mul3A_1099 : vector<16x16xf32>
    %logistic3A_1101 = arith.negf %mul3A_1100 : vector<16x16xf32>
    %logistic3A_1102 = math.exp %logistic3A_1101 : vector<16x16xf32>
    %logistic3A_1103 = arith.constant 1.000000e+00 : f32
    %logistic3A_1104 = vector.broadcast %logistic3A_1103 : f32 to vector<16x16xf32>
    %logistic3A_1105 = arith.addf %logistic3A_1104, %logistic3A_1102 : vector<16x16xf32>
    %logistic3A_1106 = arith.divf %logistic3A_1104, %logistic3A_1105 : vector<16x16xf32>
    %gt3A_1107 = arith.constant 5.000000e-01 : f32
    %gt3A_1108 = vector.broadcast %gt3A_1107 : f32 to vector<16x16xf32>
    %gt3A_1109 = arith.cmpf ogt, %logistic3A_1106, %gt3A_1108 : vector<16x16xf32>
    %or3A_1110 = arith.ori %gt3A_1109, %eq3A : vector<16x16xi1>
    %jit3A_1111 = arith.constant 0.000000e+00 : f32
    %jit3A_1112 = arith.constant -1.000000e+30 : f32
    %broadcast_in_dim3A_1113 = vector.broadcast %jit3A_1111 : f32 to vector<16x16xf32>
    %broadcast_in_dim3A_1114 = vector.broadcast %jit3A_1112 : f32 to vector<16x16xf32>
    %select_n3A_1115 = arith.select %or3A_1110, %broadcast_in_dim3A_1113, %broadcast_in_dim3A_1114 : vector<16x16xi1>, vector<16x16xf32>
    %swap3A_1116 = arith.constant 0 : index
    %swap3A_1117 = arith.constant 6 : index
    %swap3A_1118 = arith.constant 0 : index
    %swap3A_1119 = arith.constant 0 : index
    %swap3A_1120 = vector.load %arg4[%swap3A_1116, %swap3A_1117, %swap3A_1118, %swap3A_1119] : memref<16x8x4x16xf32, #tpu.memory_space<vmem>>, vector<16x1x1x16xf32>
    %swap3A_1121 = vector.shape_cast %swap3A_1120 : vector<16x1x1x16xf32> to vector<16x16xf32>
    %swap3A_1122 = vector.shape_cast %select_n3A_1115 : vector<16x16xf32> to vector<16x1x1x16xf32>
    tpu.vector_store %arg4[%swap3A_1116, %swap3A_1117, %swap3A_1118, %swap3A_1119], %swap3A_1122 {strides = array<i32>} : memref<16x8x4x16xf32, #tpu.memory_space<vmem>>, vector<16x1x1x16xf32>,
    %get3A_1123 = arith.constant 25 : index
    %get3A_1124 = arith.constant 0 : index
    %get3A_1125 = arith.constant 0 : index
    %get3A_1126 = vector.load %arg0[%get3A_1123, %get3A_1124, %get3A_1125] : memref<32x16x128xf32, #tpu.memory_space<vmem>>, vector<1x16x128xf32>
    %get3A_1127 = vector.shape_cast %get3A_1126 : vector<1x16x128xf32> to vector<16x128xf32>
    %convert_element_type3A_1128 = arith.truncf %get3A_1127 : vector<16x128xf32> to vector<16x128xbf16>
    %dot_general3A_1129 = arith.constant dense<0.000000e+00> : vector<16x64xf32>
    %dot_general3A_1130 = tpu.matmul %convert_element_type3A_1128, %convert_element_type3A, %dot_general3A_1129 {dimension_numbers = #tpu.dot_dimension_numbers<[1], [0], [0], [1], [0, 0, 1, 1], [], []>, transpose_lhs_hint = false} : vector<16x128xbf16>, vector<128x64xbf16>, vector<16x64xf32> -> vector<16x64xf32>
    %get3A_1131 = arith.constant 25 : index
    %get3A_1132 = arith.constant 0 : index
    %get3A_1133 = arith.constant 0 : index
    %get3A_1134 = vector.load %arg1[%get3A_1131, %get3A_1132, %get3A_1133] : memref<32x16x128xf32, #tpu.memory_space<vmem>>, vector<1x16x128xf32>
    %get3A_1135 = vector.shape_cast %get3A_1134 : vector<1x16x128xf32> to vector<16x128xf32>
    %convert_element_type3A_1136 = arith.truncf %get3A_1135 : vector<16x128xf32> to vector<16x128xbf16>
    %dot_general3A_1137 = arith.constant dense<0.000000e+00> : vector<16x64xf32>
    %dot_general3A_1138 = tpu.matmul %convert_element_type3A_1136, %convert_element_type3A_6, %dot_general3A_1137 {dimension_numbers = #tpu.dot_dimension_numbers<[1], [0], [0], [1], [0, 0, 1, 1], [], []>, transpose_lhs_hint = false} : vector<16x128xbf16>, vector<128x64xbf16>, vector<16x64xf32> -> vector<16x64xf32>
    %convert_element_type3A_1139 = arith.truncf %dot_general3A_1130 : vector<16x64xf32> to vector<16x64xbf16>
    %convert_element_type3A_1140 = arith.truncf %dot_general3A_1138 : vector<16x64xf32> to vector<16x64xbf16>
    %dot_general3A_1141 = arith.constant dense<0.000000e+00> : vector<16x16xf32>
    %dot_general3A_1142 = tpu.matmul %convert_element_type3A_1139, %convert_element_type3A_1140, %dot_general3A_1141 {dimension_numbers = #tpu.dot_dimension_numbers<[1], [1], [0], [0], [0, 0, 1, 0], [], []>, transpose_lhs_hint = false} : vector<16x64xbf16>, vector<16x64xbf16>, vector<16x16xf32> -> vector<16x16xf32>
    %mul3A_1143 = arith.constant 1.250000e-01 : f32
    %mul3A_1144 = vector.broadcast %mul3A_1143 : f32 to vector<16x16xf32>
    %mul3A_1145 = arith.mulf %dot_general3A_1142, %mul3A_1144 : vector<16x16xf32>
    %logistic3A_1146 = arith.negf %mul3A_1145 : vector<16x16xf32>
    %logistic3A_1147 = math.exp %logistic3A_1146 : vector<16x16xf32>
    %logistic3A_1148 = arith.constant 1.000000e+00 : f32
    %logistic3A_1149 = vector.broadcast %logistic3A_1148 : f32 to vector<16x16xf32>
    %logistic3A_1150 = arith.addf %logistic3A_1149, %logistic3A_1147 : vector<16x16xf32>
    %logistic3A_1151 = arith.divf %logistic3A_1149, %logistic3A_1150 : vector<16x16xf32>
    %gt3A_1152 = arith.constant 5.000000e-01 : f32
    %gt3A_1153 = vector.broadcast %gt3A_1152 : f32 to vector<16x16xf32>
    %gt3A_1154 = arith.cmpf ogt, %logistic3A_1151, %gt3A_1153 : vector<16x16xf32>
    %or3A_1155 = arith.ori %gt3A_1154, %eq3A : vector<16x16xi1>
    %jit3A_1156 = arith.constant 0.000000e+00 : f32
    %jit3A_1157 = arith.constant -1.000000e+30 : f32
    %broadcast_in_dim3A_1158 = vector.broadcast %jit3A_1156 : f32 to vector<16x16xf32>
    %broadcast_in_dim3A_1159 = vector.broadcast %jit3A_1157 : f32 to vector<16x16xf32>
    %select_n3A_1160 = arith.select %or3A_1155, %broadcast_in_dim3A_1158, %broadcast_in_dim3A_1159 : vector<16x16xi1>, vector<16x16xf32>
    %swap3A_1161 = arith.constant 0 : index
    %swap3A_1162 = arith.constant 6 : index
    %swap3A_1163 = arith.constant 1 : index
    %swap3A_1164 = arith.constant 0 : index
    %swap3A_1165 = vector.load %arg4[%swap3A_1161, %swap3A_1162, %swap3A_1163, %swap3A_1164] : memref<16x8x4x16xf32, #tpu.memory_space<vmem>>, vector<16x1x1x16xf32>
    %swap3A_1166 = vector.shape_cast %swap3A_1165 : vector<16x1x1x16xf32> to vector<16x16xf32>
    %swap3A_1167 = vector.shape_cast %select_n3A_1160 : vector<16x16xf32> to vector<16x1x1x16xf32>
    tpu.vector_store %arg4[%swap3A_1161, %swap3A_1162, %swap3A_1163, %swap3A_1164], %swap3A_1167 {strides = array<i32>} : memref<16x8x4x16xf32, #tpu.memory_space<vmem>>, vector<16x1x1x16xf32>,
    %get3A_1168 = arith.constant 26 : index
    %get3A_1169 = arith.constant 0 : index
    %get3A_1170 = arith.constant 0 : index
    %get3A_1171 = vector.load %arg0[%get3A_1168, %get3A_1169, %get3A_1170] : memref<32x16x128xf32, #tpu.memory_space<vmem>>, vector<1x16x128xf32>
    %get3A_1172 = vector.shape_cast %get3A_1171 : vector<1x16x128xf32> to vector<16x128xf32>
    %convert_element_type3A_1173 = arith.truncf %get3A_1172 : vector<16x128xf32> to vector<16x128xbf16>
    %dot_general3A_1174 = arith.constant dense<0.000000e+00> : vector<16x64xf32>
    %dot_general3A_1175 = tpu.matmul %convert_element_type3A_1173, %convert_element_type3A, %dot_general3A_1174 {dimension_numbers = #tpu.dot_dimension_numbers<[1], [0], [0], [1], [0, 0, 1, 1], [], []>, transpose_lhs_hint = false} : vector<16x128xbf16>, vector<128x64xbf16>, vector<16x64xf32> -> vector<16x64xf32>
    %get3A_1176 = arith.constant 26 : index
    %get3A_1177 = arith.constant 0 : index
    %get3A_1178 = arith.constant 0 : index
    %get3A_1179 = vector.load %arg1[%get3A_1176, %get3A_1177, %get3A_1178] : memref<32x16x128xf32, #tpu.memory_space<vmem>>, vector<1x16x128xf32>
    %get3A_1180 = vector.shape_cast %get3A_1179 : vector<1x16x128xf32> to vector<16x128xf32>
    %convert_element_type3A_1181 = arith.truncf %get3A_1180 : vector<16x128xf32> to vector<16x128xbf16>
    %dot_general3A_1182 = arith.constant dense<0.000000e+00> : vector<16x64xf32>
    %dot_general3A_1183 = tpu.matmul %convert_element_type3A_1181, %convert_element_type3A_6, %dot_general3A_1182 {dimension_numbers = #tpu.dot_dimension_numbers<[1], [0], [0], [1], [0, 0, 1, 1], [], []>, transpose_lhs_hint = false} : vector<16x128xbf16>, vector<128x64xbf16>, vector<16x64xf32> -> vector<16x64xf32>
    %convert_element_type3A_1184 = arith.truncf %dot_general3A_1175 : vector<16x64xf32> to vector<16x64xbf16>
    %convert_element_type3A_1185 = arith.truncf %dot_general3A_1183 : vector<16x64xf32> to vector<16x64xbf16>
    %dot_general3A_1186 = arith.constant dense<0.000000e+00> : vector<16x16xf32>
    %dot_general3A_1187 = tpu.matmul %convert_element_type3A_1184, %convert_element_type3A_1185, %dot_general3A_1186 {dimension_numbers = #tpu.dot_dimension_numbers<[1], [1], [0], [0], [0, 0, 1, 0], [], []>, transpose_lhs_hint = false} : vector<16x64xbf16>, vector<16x64xbf16>, vector<16x16xf32> -> vector<16x16xf32>
    %mul3A_1188 = arith.constant 1.250000e-01 : f32
    %mul3A_1189 = vector.broadcast %mul3A_1188 : f32 to vector<16x16xf32>
    %mul3A_1190 = arith.mulf %dot_general3A_1187, %mul3A_1189 : vector<16x16xf32>
    %logistic3A_1191 = arith.negf %mul3A_1190 : vector<16x16xf32>
    %logistic3A_1192 = math.exp %logistic3A_1191 : vector<16x16xf32>
    %logistic3A_1193 = arith.constant 1.000000e+00 : f32
    %logistic3A_1194 = vector.broadcast %logistic3A_1193 : f32 to vector<16x16xf32>
    %logistic3A_1195 = arith.addf %logistic3A_1194, %logistic3A_1192 : vector<16x16xf32>
    %logistic3A_1196 = arith.divf %logistic3A_1194, %logistic3A_1195 : vector<16x16xf32>
    %gt3A_1197 = arith.constant 5.000000e-01 : f32
    %gt3A_1198 = vector.broadcast %gt3A_1197 : f32 to vector<16x16xf32>
    %gt3A_1199 = arith.cmpf ogt, %logistic3A_1196, %gt3A_1198 : vector<16x16xf32>
    %or3A_1200 = arith.ori %gt3A_1199, %eq3A : vector<16x16xi1>
    %jit3A_1201 = arith.constant 0.000000e+00 : f32
    %jit3A_1202 = arith.constant -1.000000e+30 : f32
    %broadcast_in_dim3A_1203 = vector.broadcast %jit3A_1201 : f32 to vector<16x16xf32>
    %broadcast_in_dim3A_1204 = vector.broadcast %jit3A_1202 : f32 to vector<16x16xf32>
    %select_n3A_1205 = arith.select %or3A_1200, %broadcast_in_dim3A_1203, %broadcast_in_dim3A_1204 : vector<16x16xi1>, vector<16x16xf32>
    %swap3A_1206 = arith.constant 0 : index
    %swap3A_1207 = arith.constant 6 : index
    %swap3A_1208 = arith.constant 2 : index
    %swap3A_1209 = arith.constant 0 : index
    %swap3A_1210 = vector.load %arg4[%swap3A_1206, %swap3A_1207, %swap3A_1208, %swap3A_1209] : memref<16x8x4x16xf32, #tpu.memory_space<vmem>>, vector<16x1x1x16xf32>
    %swap3A_1211 = vector.shape_cast %swap3A_1210 : vector<16x1x1x16xf32> to vector<16x16xf32>
    %swap3A_1212 = vector.shape_cast %select_n3A_1205 : vector<16x16xf32> to vector<16x1x1x16xf32>
    tpu.vector_store %arg4[%swap3A_1206, %swap3A_1207, %swap3A_1208, %swap3A_1209], %swap3A_1212 {strides = array<i32>} : memref<16x8x4x16xf32, #tpu.memory_space<vmem>>, vector<16x1x1x16xf32>,
    %get3A_1213 = arith.constant 27 : index
    %get3A_1214 = arith.constant 0 : index
    %get3A_1215 = arith.constant 0 : index
    %get3A_1216 = vector.load %arg0[%get3A_1213, %get3A_1214, %get3A_1215] : memref<32x16x128xf32, #tpu.memory_space<vmem>>, vector<1x16x128xf32>
    %get3A_1217 = vector.shape_cast %get3A_1216 : vector<1x16x128xf32> to vector<16x128xf32>
    %convert_element_type3A_1218 = arith.truncf %get3A_1217 : vector<16x128xf32> to vector<16x128xbf16>
    %dot_general3A_1219 = arith.constant dense<0.000000e+00> : vector<16x64xf32>
    %dot_general3A_1220 = tpu.matmul %convert_element_type3A_1218, %convert_element_type3A, %dot_general3A_1219 {dimension_numbers = #tpu.dot_dimension_numbers<[1], [0], [0], [1], [0, 0, 1, 1], [], []>, transpose_lhs_hint = false} : vector<16x128xbf16>, vector<128x64xbf16>, vector<16x64xf32> -> vector<16x64xf32>
    %get3A_1221 = arith.constant 27 : index
    %get3A_1222 = arith.constant 0 : index
    %get3A_1223 = arith.constant 0 : index
    %get3A_1224 = vector.load %arg1[%get3A_1221, %get3A_1222, %get3A_1223] : memref<32x16x128xf32, #tpu.memory_space<vmem>>, vector<1x16x128xf32>
    %get3A_1225 = vector.shape_cast %get3A_1224 : vector<1x16x128xf32> to vector<16x128xf32>
    %convert_element_type3A_1226 = arith.truncf %get3A_1225 : vector<16x128xf32> to vector<16x128xbf16>
    %dot_general3A_1227 = arith.constant dense<0.000000e+00> : vector<16x64xf32>
    %dot_general3A_1228 = tpu.matmul %convert_element_type3A_1226, %convert_element_type3A_6, %dot_general3A_1227 {dimension_numbers = #tpu.dot_dimension_numbers<[1], [0], [0], [1], [0, 0, 1, 1], [], []>, transpose_lhs_hint = false} : vector<16x128xbf16>, vector<128x64xbf16>, vector<16x64xf32> -> vector<16x64xf32>
    %convert_element_type3A_1229 = arith.truncf %dot_general3A_1220 : vector<16x64xf32> to vector<16x64xbf16>
    %convert_element_type3A_1230 = arith.truncf %dot_general3A_1228 : vector<16x64xf32> to vector<16x64xbf16>
    %dot_general3A_1231 = arith.constant dense<0.000000e+00> : vector<16x16xf32>
    %dot_general3A_1232 = tpu.matmul %convert_element_type3A_1229, %convert_element_type3A_1230, %dot_general3A_1231 {dimension_numbers = #tpu.dot_dimension_numbers<[1], [1], [0], [0], [0, 0, 1, 0], [], []>, transpose_lhs_hint = false} : vector<16x64xbf16>, vector<16x64xbf16>, vector<16x16xf32> -> vector<16x16xf32>
    %mul3A_1233 = arith.constant 1.250000e-01 : f32
    %mul3A_1234 = vector.broadcast %mul3A_1233 : f32 to vector<16x16xf32>
    %mul3A_1235 = arith.mulf %dot_general3A_1232, %mul3A_1234 : vector<16x16xf32>
    %logistic3A_1236 = arith.negf %mul3A_1235 : vector<16x16xf32>
    %logistic3A_1237 = math.exp %logistic3A_1236 : vector<16x16xf32>
    %logistic3A_1238 = arith.constant 1.000000e+00 : f32
    %logistic3A_1239 = vector.broadcast %logistic3A_1238 : f32 to vector<16x16xf32>
    %logistic3A_1240 = arith.addf %logistic3A_1239, %logistic3A_1237 : vector<16x16xf32>
    %logistic3A_1241 = arith.divf %logistic3A_1239, %logistic3A_1240 : vector<16x16xf32>
    %gt3A_1242 = arith.constant 5.000000e-01 : f32
    %gt3A_1243 = vector.broadcast %gt3A_1242 : f32 to vector<16x16xf32>
    %gt3A_1244 = arith.cmpf ogt, %logistic3A_1241, %gt3A_1243 : vector<16x16xf32>
    %or3A_1245 = arith.ori %gt3A_1244, %eq3A : vector<16x16xi1>
    %jit3A_1246 = arith.constant 0.000000e+00 : f32
    %jit3A_1247 = arith.constant -1.000000e+30 : f32
    %broadcast_in_dim3A_1248 = vector.broadcast %jit3A_1246 : f32 to vector<16x16xf32>
    %broadcast_in_dim3A_1249 = vector.broadcast %jit3A_1247 : f32 to vector<16x16xf32>
    %select_n3A_1250 = arith.select %or3A_1245, %broadcast_in_dim3A_1248, %broadcast_in_dim3A_1249 : vector<16x16xi1>, vector<16x16xf32>
    %swap3A_1251 = arith.constant 0 : index
    %swap3A_1252 = arith.constant 6 : index
    %swap3A_1253 = arith.constant 3 : index
    %swap3A_1254 = arith.constant 0 : index
    %swap3A_1255 = vector.load %arg4[%swap3A_1251, %swap3A_1252, %swap3A_1253, %swap3A_1254] : memref<16x8x4x16xf32, #tpu.memory_space<vmem>>, vector<16x1x1x16xf32>
    %swap3A_1256 = vector.shape_cast %swap3A_1255 : vector<16x1x1x16xf32> to vector<16x16xf32>
    %swap3A_1257 = vector.shape_cast %select_n3A_1250 : vector<16x16xf32> to vector<16x1x1x16xf32>
    tpu.vector_store %arg4[%swap3A_1251, %swap3A_1252, %swap3A_1253, %swap3A_1254], %swap3A_1257 {strides = array<i32>} : memref<16x8x4x16xf32, #tpu.memory_space<vmem>>, vector<16x1x1x16xf32>,
    %get3A_1258 = arith.constant 28 : index
    %get3A_1259 = arith.constant 0 : index
    %get3A_1260 = arith.constant 0 : index
    %get3A_1261 = vector.load %arg0[%get3A_1258, %get3A_1259, %get3A_1260] : memref<32x16x128xf32, #tpu.memory_space<vmem>>, vector<1x16x128xf32>
    %get3A_1262 = vector.shape_cast %get3A_1261 : vector<1x16x128xf32> to vector<16x128xf32>
    %convert_element_type3A_1263 = arith.truncf %get3A_1262 : vector<16x128xf32> to vector<16x128xbf16>
    %dot_general3A_1264 = arith.constant dense<0.000000e+00> : vector<16x64xf32>
    %dot_general3A_1265 = tpu.matmul %convert_element_type3A_1263, %convert_element_type3A, %dot_general3A_1264 {dimension_numbers = #tpu.dot_dimension_numbers<[1], [0], [0], [1], [0, 0, 1, 1], [], []>, transpose_lhs_hint = false} : vector<16x128xbf16>, vector<128x64xbf16>, vector<16x64xf32> -> vector<16x64xf32>
    %get3A_1266 = arith.constant 28 : index
    %get3A_1267 = arith.constant 0 : index
    %get3A_1268 = arith.constant 0 : index
    %get3A_1269 = vector.load %arg1[%get3A_1266, %get3A_1267, %get3A_1268] : memref<32x16x128xf32, #tpu.memory_space<vmem>>, vector<1x16x128xf32>
    %get3A_1270 = vector.shape_cast %get3A_1269 : vector<1x16x128xf32> to vector<16x128xf32>
    %convert_element_type3A_1271 = arith.truncf %get3A_1270 : vector<16x128xf32> to vector<16x128xbf16>
    %dot_general3A_1272 = arith.constant dense<0.000000e+00> : vector<16x64xf32>
    %dot_general3A_1273 = tpu.matmul %convert_element_type3A_1271, %convert_element_type3A_6, %dot_general3A_1272 {dimension_numbers = #tpu.dot_dimension_numbers<[1], [0], [0], [1], [0, 0, 1, 1], [], []>, transpose_lhs_hint = false} : vector<16x128xbf16>, vector<128x64xbf16>, vector<16x64xf32> -> vector<16x64xf32>
    %convert_element_type3A_1274 = arith.truncf %dot_general3A_1265 : vector<16x64xf32> to vector<16x64xbf16>
    %convert_element_type3A_1275 = arith.truncf %dot_general3A_1273 : vector<16x64xf32> to vector<16x64xbf16>
    %dot_general3A_1276 = arith.constant dense<0.000000e+00> : vector<16x16xf32>
    %dot_general3A_1277 = tpu.matmul %convert_element_type3A_1274, %convert_element_type3A_1275, %dot_general3A_1276 {dimension_numbers = #tpu.dot_dimension_numbers<[1], [1], [0], [0], [0, 0, 1, 0], [], []>, transpose_lhs_hint = false} : vector<16x64xbf16>, vector<16x64xbf16>, vector<16x16xf32> -> vector<16x16xf32>
    %mul3A_1278 = arith.constant 1.250000e-01 : f32
    %mul3A_1279 = vector.broadcast %mul3A_1278 : f32 to vector<16x16xf32>
    %mul3A_1280 = arith.mulf %dot_general3A_1277, %mul3A_1279 : vector<16x16xf32>
    %logistic3A_1281 = arith.negf %mul3A_1280 : vector<16x16xf32>
    %logistic3A_1282 = math.exp %logistic3A_1281 : vector<16x16xf32>
    %logistic3A_1283 = arith.constant 1.000000e+00 : f32
    %logistic3A_1284 = vector.broadcast %logistic3A_1283 : f32 to vector<16x16xf32>
    %logistic3A_1285 = arith.addf %logistic3A_1284, %logistic3A_1282 : vector<16x16xf32>
    %logistic3A_1286 = arith.divf %logistic3A_1284, %logistic3A_1285 : vector<16x16xf32>
    %gt3A_1287 = arith.constant 5.000000e-01 : f32
    %gt3A_1288 = vector.broadcast %gt3A_1287 : f32 to vector<16x16xf32>
    %gt3A_1289 = arith.cmpf ogt, %logistic3A_1286, %gt3A_1288 : vector<16x16xf32>
    %or3A_1290 = arith.ori %gt3A_1289, %eq3A : vector<16x16xi1>
    %jit3A_1291 = arith.constant 0.000000e+00 : f32
    %jit3A_1292 = arith.constant -1.000000e+30 : f32
    %broadcast_in_dim3A_1293 = vector.broadcast %jit3A_1291 : f32 to vector<16x16xf32>
    %broadcast_in_dim3A_1294 = vector.broadcast %jit3A_1292 : f32 to vector<16x16xf32>
    %select_n3A_1295 = arith.select %or3A_1290, %broadcast_in_dim3A_1293, %broadcast_in_dim3A_1294 : vector<16x16xi1>, vector<16x16xf32>
    %swap3A_1296 = arith.constant 0 : index
    %swap3A_1297 = arith.constant 7 : index
    %swap3A_1298 = arith.constant 0 : index
    %swap3A_1299 = arith.constant 0 : index
    %swap3A_1300 = vector.load %arg4[%swap3A_1296, %swap3A_1297, %swap3A_1298, %swap3A_1299] : memref<16x8x4x16xf32, #tpu.memory_space<vmem>>, vector<16x1x1x16xf32>
    %swap3A_1301 = vector.shape_cast %swap3A_1300 : vector<16x1x1x16xf32> to vector<16x16xf32>
    %swap3A_1302 = vector.shape_cast %select_n3A_1295 : vector<16x16xf32> to vector<16x1x1x16xf32>
    tpu.vector_store %arg4[%swap3A_1296, %swap3A_1297, %swap3A_1298, %swap3A_1299], %swap3A_1302 {strides = array<i32>} : memref<16x8x4x16xf32, #tpu.memory_space<vmem>>, vector<16x1x1x16xf32>,
    %get3A_1303 = arith.constant 29 : index
    %get3A_1304 = arith.constant 0 : index
    %get3A_1305 = arith.constant 0 : index
    %get3A_1306 = vector.load %arg0[%get3A_1303, %get3A_1304, %get3A_1305] : memref<32x16x128xf32, #tpu.memory_space<vmem>>, vector<1x16x128xf32>
    %get3A_1307 = vector.shape_cast %get3A_1306 : vector<1x16x128xf32> to vector<16x128xf32>
    %convert_element_type3A_1308 = arith.truncf %get3A_1307 : vector<16x128xf32> to vector<16x128xbf16>
    %dot_general3A_1309 = arith.constant dense<0.000000e+00> : vector<16x64xf32>
    %dot_general3A_1310 = tpu.matmul %convert_element_type3A_1308, %convert_element_type3A, %dot_general3A_1309 {dimension_numbers = #tpu.dot_dimension_numbers<[1], [0], [0], [1], [0, 0, 1, 1], [], []>, transpose_lhs_hint = false} : vector<16x128xbf16>, vector<128x64xbf16>, vector<16x64xf32> -> vector<16x64xf32>
    %get3A_1311 = arith.constant 29 : index
    %get3A_1312 = arith.constant 0 : index
    %get3A_1313 = arith.constant 0 : index
    %get3A_1314 = vector.load %arg1[%get3A_1311, %get3A_1312, %get3A_1313] : memref<32x16x128xf32, #tpu.memory_space<vmem>>, vector<1x16x128xf32>
    %get3A_1315 = vector.shape_cast %get3A_1314 : vector<1x16x128xf32> to vector<16x128xf32>
    %convert_element_type3A_1316 = arith.truncf %get3A_1315 : vector<16x128xf32> to vector<16x128xbf16>
    %dot_general3A_1317 = arith.constant dense<0.000000e+00> : vector<16x64xf32>
    %dot_general3A_1318 = tpu.matmul %convert_element_type3A_1316, %convert_element_type3A_6, %dot_general3A_1317 {dimension_numbers = #tpu.dot_dimension_numbers<[1], [0], [0], [1], [0, 0, 1, 1], [], []>, transpose_lhs_hint = false} : vector<16x128xbf16>, vector<128x64xbf16>, vector<16x64xf32> -> vector<16x64xf32>
    %convert_element_type3A_1319 = arith.truncf %dot_general3A_1310 : vector<16x64xf32> to vector<16x64xbf16>
    %convert_element_type3A_1320 = arith.truncf %dot_general3A_1318 : vector<16x64xf32> to vector<16x64xbf16>
    %dot_general3A_1321 = arith.constant dense<0.000000e+00> : vector<16x16xf32>
    %dot_general3A_1322 = tpu.matmul %convert_element_type3A_1319, %convert_element_type3A_1320, %dot_general3A_1321 {dimension_numbers = #tpu.dot_dimension_numbers<[1], [1], [0], [0], [0, 0, 1, 0], [], []>, transpose_lhs_hint = false} : vector<16x64xbf16>, vector<16x64xbf16>, vector<16x16xf32> -> vector<16x16xf32>
    %mul3A_1323 = arith.constant 1.250000e-01 : f32
    %mul3A_1324 = vector.broadcast %mul3A_1323 : f32 to vector<16x16xf32>
    %mul3A_1325 = arith.mulf %dot_general3A_1322, %mul3A_1324 : vector<16x16xf32>
    %logistic3A_1326 = arith.negf %mul3A_1325 : vector<16x16xf32>
    %logistic3A_1327 = math.exp %logistic3A_1326 : vector<16x16xf32>
    %logistic3A_1328 = arith.constant 1.000000e+00 : f32
    %logistic3A_1329 = vector.broadcast %logistic3A_1328 : f32 to vector<16x16xf32>
    %logistic3A_1330 = arith.addf %logistic3A_1329, %logistic3A_1327 : vector<16x16xf32>
    %logistic3A_1331 = arith.divf %logistic3A_1329, %logistic3A_1330 : vector<16x16xf32>
    %gt3A_1332 = arith.constant 5.000000e-01 : f32
    %gt3A_1333 = vector.broadcast %gt3A_1332 : f32 to vector<16x16xf32>
    %gt3A_1334 = arith.cmpf ogt, %logistic3A_1331, %gt3A_1333 : vector<16x16xf32>
    %or3A_1335 = arith.ori %gt3A_1334, %eq3A : vector<16x16xi1>
    %jit3A_1336 = arith.constant 0.000000e+00 : f32
    %jit3A_1337 = arith.constant -1.000000e+30 : f32
    %broadcast_in_dim3A_1338 = vector.broadcast %jit3A_1336 : f32 to vector<16x16xf32>
    %broadcast_in_dim3A_1339 = vector.broadcast %jit3A_1337 : f32 to vector<16x16xf32>
    %select_n3A_1340 = arith.select %or3A_1335, %broadcast_in_dim3A_1338, %broadcast_in_dim3A_1339 : vector<16x16xi1>, vector<16x16xf32>
    %swap3A_1341 = arith.constant 0 : index
    %swap3A_1342 = arith.constant 7 : index
    %swap3A_1343 = arith.constant 1 : index
    %swap3A_1344 = arith.constant 0 : index
    %swap3A_1345 = vector.load %arg4[%swap3A_1341, %swap3A_1342, %swap3A_1343, %swap3A_1344] : memref<16x8x4x16xf32, #tpu.memory_space<vmem>>, vector<16x1x1x16xf32>
    %swap3A_1346 = vector.shape_cast %swap3A_1345 : vector<16x1x1x16xf32> to vector<16x16xf32>
    %swap3A_1347 = vector.shape_cast %select_n3A_1340 : vector<16x16xf32> to vector<16x1x1x16xf32>
    tpu.vector_store %arg4[%swap3A_1341, %swap3A_1342, %swap3A_1343, %swap3A_1344], %swap3A_1347 {strides = array<i32>} : memref<16x8x4x16xf32, #tpu.memory_space<vmem>>, vector<16x1x1x16xf32>,
    %get3A_1348 = arith.constant 30 : index
    %get3A_1349 = arith.constant 0 : index
    %get3A_1350 = arith.constant 0 : index
    %get3A_1351 = vector.load %arg0[%get3A_1348, %get3A_1349, %get3A_1350] : memref<32x16x128xf32, #tpu.memory_space<vmem>>, vector<1x16x128xf32>
    %get3A_1352 = vector.shape_cast %get3A_1351 : vector<1x16x128xf32> to vector<16x128xf32>
    %convert_element_type3A_1353 = arith.truncf %get3A_1352 : vector<16x128xf32> to vector<16x128xbf16>
    %dot_general3A_1354 = arith.constant dense<0.000000e+00> : vector<16x64xf32>
    %dot_general3A_1355 = tpu.matmul %convert_element_type3A_1353, %convert_element_type3A, %dot_general3A_1354 {dimension_numbers = #tpu.dot_dimension_numbers<[1], [0], [0], [1], [0, 0, 1, 1], [], []>, transpose_lhs_hint = false} : vector<16x128xbf16>, vector<128x64xbf16>, vector<16x64xf32> -> vector<16x64xf32>
    %get3A_1356 = arith.constant 30 : index
    %get3A_1357 = arith.constant 0 : index
    %get3A_1358 = arith.constant 0 : index
    %get3A_1359 = vector.load %arg1[%get3A_1356, %get3A_1357, %get3A_1358] : memref<32x16x128xf32, #tpu.memory_space<vmem>>, vector<1x16x128xf32>
    %get3A_1360 = vector.shape_cast %get3A_1359 : vector<1x16x128xf32> to vector<16x128xf32>
    %convert_element_type3A_1361 = arith.truncf %get3A_1360 : vector<16x128xf32> to vector<16x128xbf16>
    %dot_general3A_1362 = arith.constant dense<0.000000e+00> : vector<16x64xf32>
    %dot_general3A_1363 = tpu.matmul %convert_element_type3A_1361, %convert_element_type3A_6, %dot_general3A_1362 {dimension_numbers = #tpu.dot_dimension_numbers<[1], [0], [0], [1], [0, 0, 1, 1], [], []>, transpose_lhs_hint = false} : vector<16x128xbf16>, vector<128x64xbf16>, vector<16x64xf32> -> vector<16x64xf32>
    %convert_element_type3A_1364 = arith.truncf %dot_general3A_1355 : vector<16x64xf32> to vector<16x64xbf16>
    %convert_element_type3A_1365 = arith.truncf %dot_general3A_1363 : vector<16x64xf32> to vector<16x64xbf16>
    %dot_general3A_1366 = arith.constant dense<0.000000e+00> : vector<16x16xf32>
    %dot_general3A_1367 = tpu.matmul %convert_element_type3A_1364, %convert_element_type3A_1365, %dot_general3A_1366 {dimension_numbers = #tpu.dot_dimension_numbers<[1], [1], [0], [0], [0, 0, 1, 0], [], []>, transpose_lhs_hint = false} : vector<16x64xbf16>, vector<16x64xbf16>, vector<16x16xf32> -> vector<16x16xf32>
    %mul3A_1368 = arith.constant 1.250000e-01 : f32
    %mul3A_1369 = vector.broadcast %mul3A_1368 : f32 to vector<16x16xf32>
    %mul3A_1370 = arith.mulf %dot_general3A_1367, %mul3A_1369 : vector<16x16xf32>
    %logistic3A_1371 = arith.negf %mul3A_1370 : vector<16x16xf32>
    %logistic3A_1372 = math.exp %logistic3A_1371 : vector<16x16xf32>
    %logistic3A_1373 = arith.constant 1.000000e+00 : f32
    %logistic3A_1374 = vector.broadcast %logistic3A_1373 : f32 to vector<16x16xf32>
    %logistic3A_1375 = arith.addf %logistic3A_1374, %logistic3A_1372 : vector<16x16xf32>
    %logistic3A_1376 = arith.divf %logistic3A_1374, %logistic3A_1375 : vector<16x16xf32>
    %gt3A_1377 = arith.constant 5.000000e-01 : f32
    %gt3A_1378 = vector.broadcast %gt3A_1377 : f32 to vector<16x16xf32>
    %gt3A_1379 = arith.cmpf ogt, %logistic3A_1376, %gt3A_1378 : vector<16x16xf32>
    %or3A_1380 = arith.ori %gt3A_1379, %eq3A : vector<16x16xi1>
    %jit3A_1381 = arith.constant 0.000000e+00 : f32
    %jit3A_1382 = arith.constant -1.000000e+30 : f32
    %broadcast_in_dim3A_1383 = vector.broadcast %jit3A_1381 : f32 to vector<16x16xf32>
    %broadcast_in_dim3A_1384 = vector.broadcast %jit3A_1382 : f32 to vector<16x16xf32>
    %select_n3A_1385 = arith.select %or3A_1380, %broadcast_in_dim3A_1383, %broadcast_in_dim3A_1384 : vector<16x16xi1>, vector<16x16xf32>
    %swap3A_1386 = arith.constant 0 : index
    %swap3A_1387 = arith.constant 7 : index
    %swap3A_1388 = arith.constant 2 : index
    %swap3A_1389 = arith.constant 0 : index
    %swap3A_1390 = vector.load %arg4[%swap3A_1386, %swap3A_1387, %swap3A_1388, %swap3A_1389] : memref<16x8x4x16xf32, #tpu.memory_space<vmem>>, vector<16x1x1x16xf32>
    %swap3A_1391 = vector.shape_cast %swap3A_1390 : vector<16x1x1x16xf32> to vector<16x16xf32>
    %swap3A_1392 = vector.shape_cast %select_n3A_1385 : vector<16x16xf32> to vector<16x1x1x16xf32>
    tpu.vector_store %arg4[%swap3A_1386, %swap3A_1387, %swap3A_1388, %swap3A_1389], %swap3A_1392 {strides = array<i32>} : memref<16x8x4x16xf32, #tpu.memory_space<vmem>>, vector<16x1x1x16xf32>,
    %get3A_1393 = arith.constant 31 : index
    %get3A_1394 = arith.constant 0 : index
    %get3A_1395 = arith.constant 0 : index
    %get3A_1396 = vector.load %arg0[%get3A_1393, %get3A_1394, %get3A_1395] : memref<32x16x128xf32, #tpu.memory_space<vmem>>, vector<1x16x128xf32>
    %get3A_1397 = vector.shape_cast %get3A_1396 : vector<1x16x128xf32> to vector<16x128xf32>
    %convert_element_type3A_1398 = arith.truncf %get3A_1397 : vector<16x128xf32> to vector<16x128xbf16>
    %dot_general3A_1399 = arith.constant dense<0.000000e+00> : vector<16x64xf32>
    %dot_general3A_1400 = tpu.matmul %convert_element_type3A_1398, %convert_element_type3A, %dot_general3A_1399 {dimension_numbers = #tpu.dot_dimension_numbers<[1], [0], [0], [1], [0, 0, 1, 1], [], []>, transpose_lhs_hint = false} : vector<16x128xbf16>, vector<128x64xbf16>, vector<16x64xf32> -> vector<16x64xf32>
    %get3A_1401 = arith.constant 31 : index
    %get3A_1402 = arith.constant 0 : index
    %get3A_1403 = arith.constant 0 : index
    %get3A_1404 = vector.load %arg1[%get3A_1401, %get3A_1402, %get3A_1403] : memref<32x16x128xf32, #tpu.memory_space<vmem>>, vector<1x16x128xf32>
    %get3A_1405 = vector.shape_cast %get3A_1404 : vector<1x16x128xf32> to vector<16x128xf32>
    %convert_element_type3A_1406 = arith.truncf %get3A_1405 : vector<16x128xf32> to vector<16x128xbf16>
    %dot_general3A_1407 = arith.constant dense<0.000000e+00> : vector<16x64xf32>
    %dot_general3A_1408 = tpu.matmul %convert_element_type3A_1406, %convert_element_type3A_6, %dot_general3A_1407 {dimension_numbers = #tpu.dot_dimension_numbers<[1], [0], [0], [1], [0, 0, 1, 1], [], []>, transpose_lhs_hint = false} : vector<16x128xbf16>, vector<128x64xbf16>, vector<16x64xf32> -> vector<16x64xf32>
    %convert_element_type3A_1409 = arith.truncf %dot_general3A_1400 : vector<16x64xf32> to vector<16x64xbf16>
    %convert_element_type3A_1410 = arith.truncf %dot_general3A_1408 : vector<16x64xf32> to vector<16x64xbf16>
    %dot_general3A_1411 = arith.constant dense<0.000000e+00> : vector<16x16xf32>
    %dot_general3A_1412 = tpu.matmul %convert_element_type3A_1409, %convert_element_type3A_1410, %dot_general3A_1411 {dimension_numbers = #tpu.dot_dimension_numbers<[1], [1], [0], [0], [0, 0, 1, 0], [], []>, transpose_lhs_hint = false} : vector<16x64xbf16>, vector<16x64xbf16>, vector<16x16xf32> -> vector<16x16xf32>
    %mul3A_1413 = arith.constant 1.250000e-01 : f32
    %mul3A_1414 = vector.broadcast %mul3A_1413 : f32 to vector<16x16xf32>
    %mul3A_1415 = arith.mulf %dot_general3A_1412, %mul3A_1414 : vector<16x16xf32>
    %logistic3A_1416 = arith.negf %mul3A_1415 : vector<16x16xf32>
    %logistic3A_1417 = math.exp %logistic3A_1416 : vector<16x16xf32>
    %logistic3A_1418 = arith.constant 1.000000e+00 : f32
    %logistic3A_1419 = vector.broadcast %logistic3A_1418 : f32 to vector<16x16xf32>
    %logistic3A_1420 = arith.addf %logistic3A_1419, %logistic3A_1417 : vector<16x16xf32>
    %logistic3A_1421 = arith.divf %logistic3A_1419, %logistic3A_1420 : vector<16x16xf32>
    %gt3A_1422 = arith.constant 5.000000e-01 : f32
    %gt3A_1423 = vector.broadcast %gt3A_1422 : f32 to vector<16x16xf32>
    %gt3A_1424 = arith.cmpf ogt, %logistic3A_1421, %gt3A_1423 : vector<16x16xf32>
    %or3A_1425 = arith.ori %gt3A_1424, %eq3A : vector<16x16xi1>
    %jit3A_1426 = arith.constant 0.000000e+00 : f32
    %jit3A_1427 = arith.constant -1.000000e+30 : f32
    %broadcast_in_dim3A_1428 = vector.broadcast %jit3A_1426 : f32 to vector<16x16xf32>
    %broadcast_in_dim3A_1429 = vector.broadcast %jit3A_1427 : f32 to vector<16x16xf32>
    %select_n3A_1430 = arith.select %or3A_1425, %broadcast_in_dim3A_1428, %broadcast_in_dim3A_1429 : vector<16x16xi1>, vector<16x16xf32>
    %swap3A_1431 = arith.constant 0 : index
    %swap3A_1432 = arith.constant 7 : index
    %swap3A_1433 = arith.constant 3 : index
    %swap3A_1434 = arith.constant 0 : index
    %swap3A_1435 = vector.load %arg4[%swap3A_1431, %swap3A_1432, %swap3A_1433, %swap3A_1434] : memref<16x8x4x16xf32, #tpu.memory_space<vmem>>, vector<16x1x1x16xf32>
    %swap3A_1436 = vector.shape_cast %swap3A_1435 : vector<16x1x1x16xf32> to vector<16x16xf32>
    %swap3A_1437 = vector.shape_cast %select_n3A_1430 : vector<16x16xf32> to vector<16x1x1x16xf32>
    tpu.vector_store %arg4[%swap3A_1431, %swap3A_1432, %swap3A_1433, %swap3A_1434], %swap3A_1437 {strides = array<i32>} : memref<16x8x4x16xf32, #tpu.memory_space<vmem>>, vector<16x1x1x16xf32>,
    return
  }
}

module attributes {stable_mosaic.version = 14 : i64} {
  func.func @_flash_kernel(%arg0: i32, %arg1: i32, %arg2: memref<128x512xbf16, #tpu.memory_space<vmem>>, %arg3: memref<2048x128xbf16, #tpu.memory_space<vmem>>, %arg4: memref<2048x128xbf16, #tpu.memory_space<vmem>>, %arg5: memref<1x1x4x16xf32, #tpu.memory_space<vmem>>, %arg6: memref<128x512xf32, #tpu.memory_space<vmem>>) attributes {dimension_semantics = [#tpu.dimension_semantics<arbitrary>, #tpu.dimension_semantics<arbitrary>], iteration_bounds = array<i64: 8, 16>, scalar_prefetch = 0 : i64, scratch_operands = 0 : i64, tpu.core_type = #tpu.core_type<tc>, window_params = [{transform_indices = @transform_0, window_bounds = array<i64: 128, 512>}, {transform_indices = @transform_1, window_bounds = array<i64: 2048, 128>}, {transform_indices = @transform_2, window_bounds = array<i64: 2048, 128>}, {transform_indices = @transform_3, window_bounds = array<i64: 1, 1, 4, 16>}, {transform_indices = @transform_4, window_bounds = array<i64: 128, 512>}]} {
    %get3A = arith.constant 0 : index
    %get3A_0 = arith.constant 0 : index
    %get3A_1 = vector.load %arg2[%get3A, %get3A_0] : memref<128x512xbf16, #tpu.memory_space<vmem>>, vector<128x128xbf16>
    %get3A_2 = arith.constant 0 : index
    %get3A_3 = arith.constant 128 : index
    %get3A_4 = vector.load %arg2[%get3A_2, %get3A_3] : memref<128x512xbf16, #tpu.memory_space<vmem>>, vector<128x128xbf16>
    %get3A_5 = arith.constant 0 : index
    %get3A_6 = arith.constant 256 : index
    %get3A_7 = vector.load %arg2[%get3A_5, %get3A_6] : memref<128x512xbf16, #tpu.memory_space<vmem>>, vector<128x128xbf16>
    %get3A_8 = arith.constant 0 : index
    %get3A_9 = arith.constant 384 : index
    %get3A_10 = vector.load %arg2[%get3A_8, %get3A_9] : memref<128x512xbf16, #tpu.memory_space<vmem>>, vector<128x128xbf16>
    %concatenate3A = tpu.concatenate %get3A_1, %get3A_4, %get3A_7, %get3A_10 in 0 : vector<128x128xbf16>, vector<128x128xbf16>, vector<128x128xbf16>, vector<128x128xbf16> -> vector<512x128xbf16>
    %get3A_11 = arith.constant 0 : index
    %get3A_12 = arith.constant 0 : index
    %get3A_13 = arith.constant 0 : index
    %get3A_14 = arith.constant 0 : index
    %get3A_15 = vector.load %arg5[%get3A_11, %get3A_12, %get3A_13, %get3A_14] : memref<1x1x4x16xf32, #tpu.memory_space<vmem>>, vector<1x1x4x16xf32>
    %get3A_16 = vector.shape_cast %get3A_15 : vector<1x1x4x16xf32> to vector<4x16xf32>
    %convert_element_type3A = arith.truncf %get3A_16 : vector<4x16xf32> to vector<4x16xbf16>
    %iota3A = tpu.iota {dimensions = array<i32: 0>} : vector<512x4xi32>
    %jit3A = arith.constant 128 : i32
    %div3A = vector.broadcast %jit3A : i32 to vector<512x4xi32>
    %div3A_17 = arith.divsi %iota3A, %div3A : vector<512x4xi32>
    %sign3A = arith.constant 0 : i32
    %sign3A_18 = vector.broadcast %sign3A : i32 to vector<512x4xi32>
    %sign3A_19 = arith.cmpi sgt, %iota3A, %sign3A_18 : vector<512x4xi32>
    %sign3A_20 = arith.extui %sign3A_19 : vector<512x4xi1> to vector<512x4xi32>
    %sign3A_21 = arith.constant 0 : i32
    %sign3A_22 = vector.broadcast %sign3A_21 : i32 to vector<512x4xi32>
    %sign3A_23 = arith.cmpi slt, %iota3A, %sign3A_22 : vector<512x4xi32>
    %sign3A_24 = arith.extui %sign3A_23 : vector<512x4xi1> to vector<512x4xi32>
    %sign3A_25 = arith.subi %sign3A_20, %sign3A_24 : vector<512x4xi32>
    %sign3A_26 = arith.constant 0 : i32
    %sign3A_27 = arith.cmpi sgt, %jit3A, %sign3A_26 : i32
    %sign3A_28 = arith.extui %sign3A_27 : i1 to i32
    %sign3A_29 = arith.constant 0 : i32
    %sign3A_30 = arith.cmpi slt, %jit3A, %sign3A_29 : i32
    %sign3A_31 = arith.extui %sign3A_30 : i1 to i32
    %sign3A_32 = arith.subi %sign3A_28, %sign3A_31 : i32
    %ne3A = vector.broadcast %sign3A_32 : i32 to vector<512x4xi32>
    %ne3A_33 = arith.cmpi ne, %sign3A_25, %ne3A : vector<512x4xi32>
    %rem3A = vector.broadcast %jit3A : i32 to vector<512x4xi32>
    %rem3A_34 = arith.remsi %iota3A, %rem3A : vector<512x4xi32>
    %ne3A_35 = arith.constant 0 : i32
    %ne3A_36 = vector.broadcast %ne3A_35 : i32 to vector<512x4xi32>
    %ne3A_37 = arith.cmpi ne, %rem3A_34, %ne3A_36 : vector<512x4xi32>
    %and3A = arith.andi %ne3A_33, %ne3A_37 : vector<512x4xi1>
    %sub3A = arith.constant 1 : i32
    %sub3A_38 = vector.broadcast %sub3A : i32 to vector<512x4xi32>
    %sub3A_39 = arith.subi %div3A_17, %sub3A_38 : vector<512x4xi32>
    %select_n3A = arith.select %and3A, %sub3A_39, %div3A_17 : vector<512x4xi1>, vector<512x4xi32>
    %iota3A_40 = tpu.iota {dimensions = array<i32: 1>} : vector<512x4xi32>
    %eq3A = arith.cmpi eq, %select_n3A, %iota3A_40 : vector<512x4xi32>
    %convert_element_type3A_41 = arith.extui %eq3A : vector<512x4xi1> to vector<512x4xi32>
    %convert_element_type3A_42 = arith.sitofp %convert_element_type3A_41 : vector<512x4xi32> to vector<512x4xf32>
    %convert_element_type3A_43 = arith.truncf %convert_element_type3A_42 : vector<512x4xf32> to vector<512x4xbf16>
    %dot_general3A = arith.constant dense<0.000000e+00> : vector<512x16xf32>
    %dot_general3A_44 = tpu.matmul %convert_element_type3A_43, %convert_element_type3A, %dot_general3A {dimension_numbers = #tpu.dot_dimension_numbers<[1], [0], [0], [1], [0, 0, 1, 1], [], []>, transpose_lhs_hint = false} : vector<512x4xbf16>, vector<4x16xbf16>, vector<512x16xf32> -> vector<512x16xf32>
    %convert_element_type3A_45 = arith.truncf %dot_general3A_44 : vector<512x16xf32> to vector<512x16xbf16>
    %broadcast_in_dim3A = arith.constant -1.000000e+30 : f32
    %broadcast_in_dim3A_46 = vector.broadcast %broadcast_in_dim3A : f32 to vector<512x1xf32>
    %broadcast_in_dim3A_47 = arith.constant 0.000000e+00 : f32
    %broadcast_in_dim3A_48 = vector.broadcast %broadcast_in_dim3A_47 : f32 to vector<512x1xf32>
    %broadcast_in_dim3A_49 = arith.constant 0.000000e+00 : f32
    %broadcast_in_dim3A_50 = vector.broadcast %broadcast_in_dim3A_49 : f32 to vector<512x128xf32>
    %jit3A_51 = arith.constant 4 : i32
    %div3A_52 = arith.divsi %arg1, %jit3A_51 : i32
    %sign3A_53 = arith.constant 0 : i32
    %sign3A_54 = arith.cmpi sgt, %arg1, %sign3A_53 : i32
    %sign3A_55 = arith.extui %sign3A_54 : i1 to i32
    %sign3A_56 = arith.constant 0 : i32
    %sign3A_57 = arith.cmpi slt, %arg1, %sign3A_56 : i32
    %sign3A_58 = arith.extui %sign3A_57 : i1 to i32
    %sign3A_59 = arith.subi %sign3A_55, %sign3A_58 : i32
    %sign3A_60 = arith.constant 0 : i32
    %sign3A_61 = arith.cmpi sgt, %jit3A_51, %sign3A_60 : i32
    %sign3A_62 = arith.extui %sign3A_61 : i1 to i32
    %sign3A_63 = arith.constant 0 : i32
    %sign3A_64 = arith.cmpi slt, %jit3A_51, %sign3A_63 : i32
    %sign3A_65 = arith.extui %sign3A_64 : i1 to i32
    %sign3A_66 = arith.subi %sign3A_62, %sign3A_65 : i32
    %ne3A_67 = arith.cmpi ne, %sign3A_59, %sign3A_66 : i32
    %rem3A_68 = arith.remsi %arg1, %jit3A_51 : i32
    %ne3A_69 = arith.constant 0 : i32
    %ne3A_70 = arith.cmpi ne, %rem3A_68, %ne3A_69 : i32
    %and3A_71 = arith.andi %ne3A_67, %ne3A_70 : i1
    %sub3A_72 = arith.constant 1 : i32
    %sub3A_73 = arith.subi %div3A_52, %sub3A_72 : i32
    %select_n3A_74 = arith.select %and3A_71, %sub3A_73, %div3A_52 : i32
    %while3A = arith.constant 0 : i32
    %while3A_75 = arith.subi %select_n3A_74, %while3A : i32
    %while3A_76 = arith.addi %while3A, %while3A_75 : i32
    %while3A_77 = arith.constant 1 : i32
    %while3A_78 = arith.divsi %while3A_75, %while3A_77 : i32
    %while3A_79 = arith.muli %while3A_78, %while3A_77 : i32
    %while3A_80 = arith.addi %while3A, %while3A_79 : i32
    %while3A_81 = arith.constant 1 : i32
    %while3A_82:3 = scf.for %while3A_187 = %while3A to %while3A_80 step %while3A_81 iter_args(%while3A_188 = %broadcast_in_dim3A_46, %while3A_189 = %broadcast_in_dim3A_48, %while3A_190 = %broadcast_in_dim3A_50) -> (vector<512x1xf32>, vector<512x1xf32>, vector<512x128xf32>)  : i32 {
      %mul3A_191 = arith.constant 512 : i32
      %mul3A_192 = arith.muli %while3A_187, %mul3A_191 : i32
      %get3A_193 = arith.index_cast %mul3A_192 : i32 to index
      %get3A_194 = arith.constant 0 : index
      %get3A_195 = vector.load %arg3[%get3A_193, %get3A_194] : memref<2048x128xbf16, #tpu.memory_space<vmem>>, vector<512x128xbf16>
      %mul3A_196 = arith.constant 512 : i32
      %mul3A_197 = arith.muli %while3A_187, %mul3A_196 : i32
      %get3A_198 = arith.index_cast %mul3A_197 : i32 to index
      %get3A_199 = arith.constant 0 : index
      %get3A_200 = vector.load %arg4[%get3A_198, %get3A_199] : memref<2048x128xbf16, #tpu.memory_space<vmem>>, vector<512x128xbf16>
      %dot_general3A_201 = arith.constant dense<0.000000e+00> : vector<512x512xf32>
      %dot_general3A_202 = tpu.matmul %concatenate3A, %get3A_195, %dot_general3A_201 {dimension_numbers = #tpu.dot_dimension_numbers<[1], [1], [0], [0], [0, 0, 1, 0], [], []>, transpose_lhs_hint = false} : vector<512x128xbf16>, vector<512x128xbf16>, vector<512x512xf32> -> vector<512x512xf32>
      %iota3A_203 = tpu.iota {dimensions = array<i32: 0>} : vector<16x512xi32>
      %iota3A_204 = tpu.iota {dimensions = array<i32: 1>} : vector<16x512xi32>
      %jit3A_205 = arith.constant 128 : i32
      %div3A_206 = vector.broadcast %jit3A_205 : i32 to vector<16x512xi32>
      %div3A_207 = arith.divsi %iota3A_204, %div3A_206 : vector<16x512xi32>
      %sign3A_208 = arith.constant 0 : i32
      %sign3A_209 = vector.broadcast %sign3A_208 : i32 to vector<16x512xi32>
      %sign3A_210 = arith.cmpi sgt, %iota3A_204, %sign3A_209 : vector<16x512xi32>
      %sign3A_211 = arith.extui %sign3A_210 : vector<16x512xi1> to vector<16x512xi32>
      %sign3A_212 = arith.constant 0 : i32
      %sign3A_213 = vector.broadcast %sign3A_212 : i32 to vector<16x512xi32>
      %sign3A_214 = arith.cmpi slt, %iota3A_204, %sign3A_213 : vector<16x512xi32>
      %sign3A_215 = arith.extui %sign3A_214 : vector<16x512xi1> to vector<16x512xi32>
      %sign3A_216 = arith.subi %sign3A_211, %sign3A_215 : vector<16x512xi32>
      %sign3A_217 = arith.constant 0 : i32
      %sign3A_218 = arith.cmpi sgt, %jit3A_205, %sign3A_217 : i32
      %sign3A_219 = arith.extui %sign3A_218 : i1 to i32
      %sign3A_220 = arith.constant 0 : i32
      %sign3A_221 = arith.cmpi slt, %jit3A_205, %sign3A_220 : i32
      %sign3A_222 = arith.extui %sign3A_221 : i1 to i32
      %sign3A_223 = arith.subi %sign3A_219, %sign3A_222 : i32
      %ne3A_224 = vector.broadcast %sign3A_223 : i32 to vector<16x512xi32>
      %ne3A_225 = arith.cmpi ne, %sign3A_216, %ne3A_224 : vector<16x512xi32>
      %rem3A_226 = vector.broadcast %jit3A_205 : i32 to vector<16x512xi32>
      %rem3A_227 = arith.remsi %iota3A_204, %rem3A_226 : vector<16x512xi32>
      %ne3A_228 = arith.constant 0 : i32
      %ne3A_229 = vector.broadcast %ne3A_228 : i32 to vector<16x512xi32>
      %ne3A_230 = arith.cmpi ne, %rem3A_227, %ne3A_229 : vector<16x512xi32>
      %and3A_231 = arith.andi %ne3A_225, %ne3A_230 : vector<16x512xi1>
      %sub3A_232 = arith.constant 1 : i32
      %sub3A_233 = vector.broadcast %sub3A_232 : i32 to vector<16x512xi32>
      %sub3A_234 = arith.subi %div3A_207, %sub3A_233 : vector<16x512xi32>
      %select_n3A_235 = arith.select %and3A_231, %sub3A_234, %div3A_207 : vector<16x512xi1>, vector<16x512xi32>
      %mul3A_236 = arith.constant 4 : i32
      %mul3A_237 = arith.muli %mul3A_236, %while3A_187 : i32
      %add3A_238 = vector.broadcast %mul3A_237 : i32 to vector<16x512xi32>
      %add3A_239 = arith.addi %select_n3A_235, %add3A_238 : vector<16x512xi32>
      %eq3A_240 = arith.cmpi eq, %iota3A_203, %add3A_239 : vector<16x512xi32>
      %convert_element_type3A_241 = arith.extui %eq3A_240 : vector<16x512xi1> to vector<16x512xi32>
      %convert_element_type3A_242 = arith.sitofp %convert_element_type3A_241 : vector<16x512xi32> to vector<16x512xf32>
      %convert_element_type3A_243 = arith.truncf %convert_element_type3A_242 : vector<16x512xf32> to vector<16x512xbf16>
      %dot_general3A_244 = arith.constant dense<0.000000e+00> : vector<512x512xf32>
      %dot_general3A_245 = tpu.matmul %convert_element_type3A_45, %convert_element_type3A_243, %dot_general3A_244 {dimension_numbers = #tpu.dot_dimension_numbers<[1], [0], [0], [1], [0, 0, 1, 1], [], []>, transpose_lhs_hint = false} : vector<512x16xbf16>, vector<16x512xbf16>, vector<512x512xf32> -> vector<512x512xf32>
      %add3A_246 = arith.addf %dot_general3A_202, %dot_general3A_245 : vector<512x512xf32>
      %reduce_max3A_247 = arith.constant dense<0xFF800000> : vector<512xf32>
      %reduce_max3A_248 = vector.multi_reduction <maximumf>, %add3A_246, %reduce_max3A_247 [1] : vector<512x512xf32> to vector<512xf32>
      %broadcast_in_dim3A_249 = vector.shape_cast %reduce_max3A_248 : vector<512xf32> to vector<512x1xf32>
      %max3A_250 = arith.maximumf %while3A_188, %broadcast_in_dim3A_249 : vector<512x1xf32>
      %sub3A_251 = arith.subf %while3A_188, %max3A_250 : vector<512x1xf32>
      %exp3A_252 = math.exp %sub3A_251 : vector<512x1xf32>
      %sub3A_253 = vector.broadcast %max3A_250 : vector<512x1xf32> to vector<512x512xf32>
      %sub3A_254 = arith.subf %add3A_246, %sub3A_253 : vector<512x512xf32>
      %exp3A_255 = math.exp %sub3A_254 : vector<512x512xf32>
      %mul3A_256 = arith.mulf %while3A_189, %exp3A_252 : vector<512x1xf32>
      %reduce_sum3A_257 = arith.constant dense<0.000000e+00> : vector<512xf32>
      %reduce_sum3A_258 = vector.multi_reduction <add>, %exp3A_255, %reduce_sum3A_257 [1] : vector<512x512xf32> to vector<512xf32>
      %broadcast_in_dim3A_259 = vector.shape_cast %reduce_sum3A_258 : vector<512xf32> to vector<512x1xf32>
      %add3A_260 = arith.addf %mul3A_256, %broadcast_in_dim3A_259 : vector<512x1xf32>
      %mul3A_261 = vector.broadcast %exp3A_252 : vector<512x1xf32> to vector<512x128xf32>
      %mul3A_262 = arith.mulf %while3A_190, %mul3A_261 : vector<512x128xf32>
      %convert_element_type3A_263 = arith.truncf %exp3A_255 : vector<512x512xf32> to vector<512x512xbf16>
      %dot_general3A_264 = arith.constant dense<0.000000e+00> : vector<512x128xf32>
      %dot_general3A_265 = tpu.matmul %convert_element_type3A_263, %get3A_200, %dot_general3A_264 {dimension_numbers = #tpu.dot_dimension_numbers<[1], [0], [0], [1], [0, 0, 1, 1], [], []>, transpose_lhs_hint = false} : vector<512x512xbf16>, vector<512x128xbf16>, vector<512x128xf32> -> vector<512x128xf32>
      %add3A_266 = arith.addf %mul3A_262, %dot_general3A_265 : vector<512x128xf32>
      scf.yield %max3A_250, %add3A_260, %add3A_266 : vector<512x1xf32>, vector<512x1xf32>, vector<512x128xf32>
    }
    %while3A_83 = arith.constant 1 : i32
    %while3A_84:3 = scf.for %while3A_187 = %while3A_80 to %while3A_76 step %while3A_83 iter_args(%while3A_188 = %while3A_82#0, %while3A_189 = %while3A_82#1, %while3A_190 = %while3A_82#2) -> (vector<512x1xf32>, vector<512x1xf32>, vector<512x128xf32>)  : i32 {
      %mul3A_191 = arith.constant 512 : i32
      %mul3A_192 = arith.muli %while3A_187, %mul3A_191 : i32
      %get3A_193 = arith.index_cast %mul3A_192 : i32 to index
      %get3A_194 = arith.constant 0 : index
      %get3A_195 = vector.load %arg3[%get3A_193, %get3A_194] : memref<2048x128xbf16, #tpu.memory_space<vmem>>, vector<512x128xbf16>
      %mul3A_196 = arith.constant 512 : i32
      %mul3A_197 = arith.muli %while3A_187, %mul3A_196 : i32
      %get3A_198 = arith.index_cast %mul3A_197 : i32 to index
      %get3A_199 = arith.constant 0 : index
      %get3A_200 = vector.load %arg4[%get3A_198, %get3A_199] : memref<2048x128xbf16, #tpu.memory_space<vmem>>, vector<512x128xbf16>
      %dot_general3A_201 = arith.constant dense<0.000000e+00> : vector<512x512xf32>
      %dot_general3A_202 = tpu.matmul %concatenate3A, %get3A_195, %dot_general3A_201 {dimension_numbers = #tpu.dot_dimension_numbers<[1], [1], [0], [0], [0, 0, 1, 0], [], []>, transpose_lhs_hint = false} : vector<512x128xbf16>, vector<512x128xbf16>, vector<512x512xf32> -> vector<512x512xf32>
      %iota3A_203 = tpu.iota {dimensions = array<i32: 0>} : vector<16x512xi32>
      %iota3A_204 = tpu.iota {dimensions = array<i32: 1>} : vector<16x512xi32>
      %jit3A_205 = arith.constant 128 : i32
      %div3A_206 = vector.broadcast %jit3A_205 : i32 to vector<16x512xi32>
      %div3A_207 = arith.divsi %iota3A_204, %div3A_206 : vector<16x512xi32>
      %sign3A_208 = arith.constant 0 : i32
      %sign3A_209 = vector.broadcast %sign3A_208 : i32 to vector<16x512xi32>
      %sign3A_210 = arith.cmpi sgt, %iota3A_204, %sign3A_209 : vector<16x512xi32>
      %sign3A_211 = arith.extui %sign3A_210 : vector<16x512xi1> to vector<16x512xi32>
      %sign3A_212 = arith.constant 0 : i32
      %sign3A_213 = vector.broadcast %sign3A_212 : i32 to vector<16x512xi32>
      %sign3A_214 = arith.cmpi slt, %iota3A_204, %sign3A_213 : vector<16x512xi32>
      %sign3A_215 = arith.extui %sign3A_214 : vector<16x512xi1> to vector<16x512xi32>
      %sign3A_216 = arith.subi %sign3A_211, %sign3A_215 : vector<16x512xi32>
      %sign3A_217 = arith.constant 0 : i32
      %sign3A_218 = arith.cmpi sgt, %jit3A_205, %sign3A_217 : i32
      %sign3A_219 = arith.extui %sign3A_218 : i1 to i32
      %sign3A_220 = arith.constant 0 : i32
      %sign3A_221 = arith.cmpi slt, %jit3A_205, %sign3A_220 : i32
      %sign3A_222 = arith.extui %sign3A_221 : i1 to i32
      %sign3A_223 = arith.subi %sign3A_219, %sign3A_222 : i32
      %ne3A_224 = vector.broadcast %sign3A_223 : i32 to vector<16x512xi32>
      %ne3A_225 = arith.cmpi ne, %sign3A_216, %ne3A_224 : vector<16x512xi32>
      %rem3A_226 = vector.broadcast %jit3A_205 : i32 to vector<16x512xi32>
      %rem3A_227 = arith.remsi %iota3A_204, %rem3A_226 : vector<16x512xi32>
      %ne3A_228 = arith.constant 0 : i32
      %ne3A_229 = vector.broadcast %ne3A_228 : i32 to vector<16x512xi32>
      %ne3A_230 = arith.cmpi ne, %rem3A_227, %ne3A_229 : vector<16x512xi32>
      %and3A_231 = arith.andi %ne3A_225, %ne3A_230 : vector<16x512xi1>
      %sub3A_232 = arith.constant 1 : i32
      %sub3A_233 = vector.broadcast %sub3A_232 : i32 to vector<16x512xi32>
      %sub3A_234 = arith.subi %div3A_207, %sub3A_233 : vector<16x512xi32>
      %select_n3A_235 = arith.select %and3A_231, %sub3A_234, %div3A_207 : vector<16x512xi1>, vector<16x512xi32>
      %mul3A_236 = arith.constant 4 : i32
      %mul3A_237 = arith.muli %mul3A_236, %while3A_187 : i32
      %add3A_238 = vector.broadcast %mul3A_237 : i32 to vector<16x512xi32>
      %add3A_239 = arith.addi %select_n3A_235, %add3A_238 : vector<16x512xi32>
      %eq3A_240 = arith.cmpi eq, %iota3A_203, %add3A_239 : vector<16x512xi32>
      %convert_element_type3A_241 = arith.extui %eq3A_240 : vector<16x512xi1> to vector<16x512xi32>
      %convert_element_type3A_242 = arith.sitofp %convert_element_type3A_241 : vector<16x512xi32> to vector<16x512xf32>
      %convert_element_type3A_243 = arith.truncf %convert_element_type3A_242 : vector<16x512xf32> to vector<16x512xbf16>
      %dot_general3A_244 = arith.constant dense<0.000000e+00> : vector<512x512xf32>
      %dot_general3A_245 = tpu.matmul %convert_element_type3A_45, %convert_element_type3A_243, %dot_general3A_244 {dimension_numbers = #tpu.dot_dimension_numbers<[1], [0], [0], [1], [0, 0, 1, 1], [], []>, transpose_lhs_hint = false} : vector<512x16xbf16>, vector<16x512xbf16>, vector<512x512xf32> -> vector<512x512xf32>
      %add3A_246 = arith.addf %dot_general3A_202, %dot_general3A_245 : vector<512x512xf32>
      %reduce_max3A_247 = arith.constant dense<0xFF800000> : vector<512xf32>
      %reduce_max3A_248 = vector.multi_reduction <maximumf>, %add3A_246, %reduce_max3A_247 [1] : vector<512x512xf32> to vector<512xf32>
      %broadcast_in_dim3A_249 = vector.shape_cast %reduce_max3A_248 : vector<512xf32> to vector<512x1xf32>
      %max3A_250 = arith.maximumf %while3A_188, %broadcast_in_dim3A_249 : vector<512x1xf32>
      %sub3A_251 = arith.subf %while3A_188, %max3A_250 : vector<512x1xf32>
      %exp3A_252 = math.exp %sub3A_251 : vector<512x1xf32>
      %sub3A_253 = vector.broadcast %max3A_250 : vector<512x1xf32> to vector<512x512xf32>
      %sub3A_254 = arith.subf %add3A_246, %sub3A_253 : vector<512x512xf32>
      %exp3A_255 = math.exp %sub3A_254 : vector<512x512xf32>
      %mul3A_256 = arith.mulf %while3A_189, %exp3A_252 : vector<512x1xf32>
      %reduce_sum3A_257 = arith.constant dense<0.000000e+00> : vector<512xf32>
      %reduce_sum3A_258 = vector.multi_reduction <add>, %exp3A_255, %reduce_sum3A_257 [1] : vector<512x512xf32> to vector<512xf32>
      %broadcast_in_dim3A_259 = vector.shape_cast %reduce_sum3A_258 : vector<512xf32> to vector<512x1xf32>
      %add3A_260 = arith.addf %mul3A_256, %broadcast_in_dim3A_259 : vector<512x1xf32>
      %mul3A_261 = vector.broadcast %exp3A_252 : vector<512x1xf32> to vector<512x128xf32>
      %mul3A_262 = arith.mulf %while3A_190, %mul3A_261 : vector<512x128xf32>
      %convert_element_type3A_263 = arith.truncf %exp3A_255 : vector<512x512xf32> to vector<512x512xbf16>
      %dot_general3A_264 = arith.constant dense<0.000000e+00> : vector<512x128xf32>
      %dot_general3A_265 = tpu.matmul %convert_element_type3A_263, %get3A_200, %dot_general3A_264 {dimension_numbers = #tpu.dot_dimension_numbers<[1], [0], [0], [1], [0, 0, 1, 1], [], []>, transpose_lhs_hint = false} : vector<512x512xbf16>, vector<512x128xbf16>, vector<512x128xf32> -> vector<512x128xf32>
      %add3A_266 = arith.addf %mul3A_262, %dot_general3A_265 : vector<512x128xf32>
      scf.yield %max3A_250, %add3A_260, %add3A_266 : vector<512x1xf32>, vector<512x1xf32>, vector<512x128xf32>
    }
    %mul3A = arith.constant 512 : i32
    %mul3A_85 = arith.muli %select_n3A_74, %mul3A : i32
    %get3A_86 = arith.index_cast %mul3A_85 : i32 to index
    %get3A_87 = arith.constant 0 : index
    %get3A_88 = vector.load %arg3[%get3A_86, %get3A_87] : memref<2048x128xbf16, #tpu.memory_space<vmem>>, vector<512x128xbf16>
    %mul3A_89 = arith.constant 512 : i32
    %mul3A_90 = arith.muli %select_n3A_74, %mul3A_89 : i32
    %get3A_91 = arith.index_cast %mul3A_90 : i32 to index
    %get3A_92 = arith.constant 0 : index
    %get3A_93 = vector.load %arg4[%get3A_91, %get3A_92] : memref<2048x128xbf16, #tpu.memory_space<vmem>>, vector<512x128xbf16>
    %dot_general3A_94 = arith.constant dense<0.000000e+00> : vector<512x512xf32>
    %dot_general3A_95 = tpu.matmul %concatenate3A, %get3A_88, %dot_general3A_94 {dimension_numbers = #tpu.dot_dimension_numbers<[1], [1], [0], [0], [0, 0, 1, 0], [], []>, transpose_lhs_hint = false} : vector<512x128xbf16>, vector<512x128xbf16>, vector<512x512xf32> -> vector<512x512xf32>
    %iota3A_96 = tpu.iota {dimensions = array<i32: 0>} : vector<16x512xi32>
    %iota3A_97 = tpu.iota {dimensions = array<i32: 1>} : vector<16x512xi32>
    %jit3A_98 = arith.constant 128 : i32
    %div3A_99 = vector.broadcast %jit3A_98 : i32 to vector<16x512xi32>
    %div3A_100 = arith.divsi %iota3A_97, %div3A_99 : vector<16x512xi32>
    %sign3A_101 = arith.constant 0 : i32
    %sign3A_102 = vector.broadcast %sign3A_101 : i32 to vector<16x512xi32>
    %sign3A_103 = arith.cmpi sgt, %iota3A_97, %sign3A_102 : vector<16x512xi32>
    %sign3A_104 = arith.extui %sign3A_103 : vector<16x512xi1> to vector<16x512xi32>
    %sign3A_105 = arith.constant 0 : i32
    %sign3A_106 = vector.broadcast %sign3A_105 : i32 to vector<16x512xi32>
    %sign3A_107 = arith.cmpi slt, %iota3A_97, %sign3A_106 : vector<16x512xi32>
    %sign3A_108 = arith.extui %sign3A_107 : vector<16x512xi1> to vector<16x512xi32>
    %sign3A_109 = arith.subi %sign3A_104, %sign3A_108 : vector<16x512xi32>
    %sign3A_110 = arith.constant 0 : i32
    %sign3A_111 = arith.cmpi sgt, %jit3A_98, %sign3A_110 : i32
    %sign3A_112 = arith.extui %sign3A_111 : i1 to i32
    %sign3A_113 = arith.constant 0 : i32
    %sign3A_114 = arith.cmpi slt, %jit3A_98, %sign3A_113 : i32
    %sign3A_115 = arith.extui %sign3A_114 : i1 to i32
    %sign3A_116 = arith.subi %sign3A_112, %sign3A_115 : i32
    %ne3A_117 = vector.broadcast %sign3A_116 : i32 to vector<16x512xi32>
    %ne3A_118 = arith.cmpi ne, %sign3A_109, %ne3A_117 : vector<16x512xi32>
    %rem3A_119 = vector.broadcast %jit3A_98 : i32 to vector<16x512xi32>
    %rem3A_120 = arith.remsi %iota3A_97, %rem3A_119 : vector<16x512xi32>
    %ne3A_121 = arith.constant 0 : i32
    %ne3A_122 = vector.broadcast %ne3A_121 : i32 to vector<16x512xi32>
    %ne3A_123 = arith.cmpi ne, %rem3A_120, %ne3A_122 : vector<16x512xi32>
    %and3A_124 = arith.andi %ne3A_118, %ne3A_123 : vector<16x512xi1>
    %sub3A_125 = arith.constant 1 : i32
    %sub3A_126 = vector.broadcast %sub3A_125 : i32 to vector<16x512xi32>
    %sub3A_127 = arith.subi %div3A_100, %sub3A_126 : vector<16x512xi32>
    %select_n3A_128 = arith.select %and3A_124, %sub3A_127, %div3A_100 : vector<16x512xi1>, vector<16x512xi32>
    %mul3A_129 = arith.constant 4 : i32
    %mul3A_130 = arith.muli %mul3A_129, %select_n3A_74 : i32
    %add3A = vector.broadcast %mul3A_130 : i32 to vector<16x512xi32>
    %add3A_131 = arith.addi %select_n3A_128, %add3A : vector<16x512xi32>
    %eq3A_132 = arith.cmpi eq, %iota3A_96, %add3A_131 : vector<16x512xi32>
    %convert_element_type3A_133 = arith.extui %eq3A_132 : vector<16x512xi1> to vector<16x512xi32>
    %convert_element_type3A_134 = arith.sitofp %convert_element_type3A_133 : vector<16x512xi32> to vector<16x512xf32>
    %convert_element_type3A_135 = arith.truncf %convert_element_type3A_134 : vector<16x512xf32> to vector<16x512xbf16>
    %dot_general3A_136 = arith.constant dense<0.000000e+00> : vector<512x512xf32>
    %dot_general3A_137 = tpu.matmul %convert_element_type3A_45, %convert_element_type3A_135, %dot_general3A_136 {dimension_numbers = #tpu.dot_dimension_numbers<[1], [0], [0], [1], [0, 0, 1, 1], [], []>, transpose_lhs_hint = false} : vector<512x16xbf16>, vector<16x512xbf16>, vector<512x512xf32> -> vector<512x512xf32>
    %add3A_138 = arith.addf %dot_general3A_95, %dot_general3A_137 : vector<512x512xf32>
    %iota3A_139 = tpu.iota {dimensions = array<i32: 0>} : vector<512x512xi32>
    %iota3A_140 = tpu.iota {dimensions = array<i32: 1>} : vector<512x512xi32>
    %mul3A_141 = arith.constant 128 : i32
    %mul3A_142 = arith.muli %arg1, %mul3A_141 : i32
    %and3A_143 = arith.constant 127 : i32
    %and3A_144 = vector.broadcast %and3A_143 : i32 to vector<512x512xi32>
    %and3A_145 = arith.andi %iota3A_139, %and3A_144 : vector<512x512xi32>
    %add3A_146 = vector.broadcast %mul3A_142 : i32 to vector<512x512xi32>
    %add3A_147 = arith.addi %add3A_146, %and3A_145 : vector<512x512xi32>
    %mul3A_148 = arith.constant 512 : i32
    %mul3A_149 = arith.muli %select_n3A_74, %mul3A_148 : i32
    %add3A_150 = vector.broadcast %mul3A_149 : i32 to vector<512x512xi32>
    %add3A_151 = arith.addi %add3A_150, %iota3A_140 : vector<512x512xi32>
    %ge3A = arith.cmpi sge, %add3A_147, %add3A_151 : vector<512x512xi32>
    %jit3A_152 = arith.constant -1.000000e+30 : f32
    %broadcast_in_dim3A_153 = vector.broadcast %jit3A_152 : f32 to vector<512x512xf32>
    %select_n3A_154 = arith.select %ge3A, %add3A_138, %broadcast_in_dim3A_153 : vector<512x512xi1>, vector<512x512xf32>
    %reduce_max3A = arith.constant dense<0xFF800000> : vector<512xf32>
    %reduce_max3A_155 = vector.multi_reduction <maximumf>, %select_n3A_154, %reduce_max3A [1] : vector<512x512xf32> to vector<512xf32>
    %broadcast_in_dim3A_156 = vector.shape_cast %reduce_max3A_155 : vector<512xf32> to vector<512x1xf32>
    %max3A = arith.maximumf %while3A_84#0, %broadcast_in_dim3A_156 : vector<512x1xf32>
    %sub3A_157 = arith.subf %while3A_84#0, %max3A : vector<512x1xf32>
    %exp3A = math.exp %sub3A_157 : vector<512x1xf32>
    %sub3A_158 = vector.broadcast %max3A : vector<512x1xf32> to vector<512x512xf32>
    %sub3A_159 = arith.subf %select_n3A_154, %sub3A_158 : vector<512x512xf32>
    %exp3A_160 = math.exp %sub3A_159 : vector<512x512xf32>
    %mul3A_161 = arith.mulf %while3A_84#1, %exp3A : vector<512x1xf32>
    %reduce_sum3A = arith.constant dense<0.000000e+00> : vector<512xf32>
    %reduce_sum3A_162 = vector.multi_reduction <add>, %exp3A_160, %reduce_sum3A [1] : vector<512x512xf32> to vector<512xf32>
    %broadcast_in_dim3A_163 = vector.shape_cast %reduce_sum3A_162 : vector<512xf32> to vector<512x1xf32>
    %add3A_164 = arith.addf %mul3A_161, %broadcast_in_dim3A_163 : vector<512x1xf32>
    %mul3A_165 = vector.broadcast %exp3A : vector<512x1xf32> to vector<512x128xf32>
    %mul3A_166 = arith.mulf %while3A_84#2, %mul3A_165 : vector<512x128xf32>
    %convert_element_type3A_167 = arith.truncf %exp3A_160 : vector<512x512xf32> to vector<512x512xbf16>
    %dot_general3A_168 = arith.constant dense<0.000000e+00> : vector<512x128xf32>
    %dot_general3A_169 = tpu.matmul %convert_element_type3A_167, %get3A_93, %dot_general3A_168 {dimension_numbers = #tpu.dot_dimension_numbers<[1], [0], [0], [1], [0, 0, 1, 1], [], []>, transpose_lhs_hint = false} : vector<512x512xbf16>, vector<512x128xbf16>, vector<512x128xf32> -> vector<512x128xf32>
    %add3A_170 = arith.addf %mul3A_166, %dot_general3A_169 : vector<512x128xf32>
    %div3A_171 = vector.broadcast %add3A_164 : vector<512x1xf32> to vector<512x128xf32>
    %div3A_172 = arith.divf %add3A_170, %div3A_171 : vector<512x128xf32>
    %slice3A = vector.extract_strided_slice %div3A_172 {offsets = [0, 0], sizes = [128, 128], strides = [1, 1]} : vector<512x128xf32> to vector<128x128xf32>
    %swap3A = arith.constant 0 : index
    %swap3A_173 = arith.constant 0 : index
    %swap3A_174 = vector.load %arg6[%swap3A, %swap3A_173] : memref<128x512xf32, #tpu.memory_space<vmem>>, vector<128x128xf32>
    tpu.vector_store %arg6[%swap3A, %swap3A_173], %slice3A {strides = array<i32>} : memref<128x512xf32, #tpu.memory_space<vmem>>, vector<128x128xf32>,
    %slice3A_175 = vector.extract_strided_slice %div3A_172 {offsets = [128, 0], sizes = [128, 128], strides = [1, 1]} : vector<512x128xf32> to vector<128x128xf32>
    %swap3A_176 = arith.constant 0 : index
    %swap3A_177 = arith.constant 128 : index
    %swap3A_178 = vector.load %arg6[%swap3A_176, %swap3A_177] : memref<128x512xf32, #tpu.memory_space<vmem>>, vector<128x128xf32>
    tpu.vector_store %arg6[%swap3A_176, %swap3A_177], %slice3A_175 {strides = array<i32>} : memref<128x512xf32, #tpu.memory_space<vmem>>, vector<128x128xf32>,
    %slice3A_179 = vector.extract_strided_slice %div3A_172 {offsets = [256, 0], sizes = [128, 128], strides = [1, 1]} : vector<512x128xf32> to vector<128x128xf32>
    %swap3A_180 = arith.constant 0 : index
    %swap3A_181 = arith.constant 256 : index
    %swap3A_182 = vector.load %arg6[%swap3A_180, %swap3A_181] : memref<128x512xf32, #tpu.memory_space<vmem>>, vector<128x128xf32>
    tpu.vector_store %arg6[%swap3A_180, %swap3A_181], %slice3A_179 {strides = array<i32>} : memref<128x512xf32, #tpu.memory_space<vmem>>, vector<128x128xf32>,
    %slice3A_183 = vector.extract_strided_slice %div3A_172 {offsets = [384, 0], sizes = [128, 128], strides = [1, 1]} : vector<512x128xf32> to vector<128x128xf32>
    %swap3A_184 = arith.constant 0 : index
    %swap3A_185 = arith.constant 384 : index
    %swap3A_186 = vector.load %arg6[%swap3A_184, %swap3A_185] : memref<128x512xf32, #tpu.memory_space<vmem>>, vector<128x128xf32>
    tpu.vector_store %arg6[%swap3A_184, %swap3A_185], %slice3A_183 {strides = array<i32>} : memref<128x512xf32, #tpu.memory_space<vmem>>, vector<128x128xf32>,
    return
  }
  func.func @transform_0(%arg0: i32, %arg1: i32) -> (i32, i32) {
    %c0_i32 = arith.constant 0 : i32
    return %arg1, %arg0 : i32, i32
  }
  func.func @transform_1(%arg0: i32, %arg1: i32) -> (i32, i32) {
    %c0_i32 = arith.constant 0 : i32
    %c0_i32_0 = arith.constant 0 : i32
    return %c0_i32, %arg0 : i32, i32
  }
  func.func @transform_2(%arg0: i32, %arg1: i32) -> (i32, i32) {
    %c0_i32 = arith.constant 0 : i32
    %c0_i32_0 = arith.constant 0 : i32
    return %c0_i32, %arg0 : i32, i32
  }
  func.func @transform_3(%arg0: i32, %arg1: i32) -> (i32, i32, i32, i32) {
    %c0_i32 = arith.constant 0 : i32
    %c0_i32_0 = arith.constant 0 : i32
    %c0_i32_1 = arith.constant 0 : i32
    return %arg1, %arg0, %c0_i32, %c0_i32_0 : i32, i32, i32, i32
  }
  func.func @transform_4(%arg0: i32, %arg1: i32) -> (i32, i32) {
    %c0_i32 = arith.constant 0 : i32
    return %arg1, %arg0 : i32, i32
  }
}

</mosaic_0001>

<sc_bundles>
// kernel: sparse-core-data-format-call.cloned.1.call-start
scs
called_computation_lowered:
.L_overlay_start_0:
0x0: {  	s2 =	sld [smem:$0x3FD9]  }
0x1: {  	s3 =	sld [smem:$0x3FFE];
	_ =	sdelay $0x1  }
0x2: {  	s1 =	srdreg.scid  }
0x3: {  	s0 =	sand.u32 $0x1, s1  }
0x4: {  	s18 =	sshll.u32 s0, $0xA;
	s2 =	sadd.s32 s3, s2  }
0x5: {  	s2 =	sadd.s32 s2, s18  }
0x6: {  	[smem:$0x3FC3] =	sst s2  }
0x7: {  	_ = 	snop  }
0x8: {  	s2 =	sld [smem:$0x3FC9];
	(tm) =	ssettm $0x1  }
0x9: {  	s19 =	sld [smem:$0x3FFB];
	_ =	sdelay $0x3  }
0xa: {  	_ =	strace s19  }
0xb: {  	s3 =	sld [smem:$0x3FFC];
	_ =	sdelay $0x3  }
0xc: {  	_ =	strace s3  }
0xd: {  	s3 =	sld [smem:$0x3FFD];
	_ =	sdelay $0x3  }
0xe: {  	_ =	strace s3  }
0xf: {  	_ =	strace $0x8FFFFFFF  }
0x10: {  	s20 =	sld [smem:$0x3FDB];
	_ =	sdelay $0x1  }
0x11: {  	s4 =	simm.s32 $_scs_section_size  }
0x12: {  	s5 =	simm.s32 $_size__tile_overlayer_lowered;
	s6 =	simm.s32 $_tile_overlayer_lowered  }
0x13: {  	s23 =	simm.s32 $0x1BFF;
	s22 =	sshll.u32 s6, $0x1;
	s3 =	sadd.s32 s4, s20  }
0x14: {  	s7 =	simm.s32 $0x0;
	s21 =	sshll.u32 s5, $0x1;
	s5 =	sadd.s32 s22, s3  }
0x15: {  	[timem:s7], [sflag:s23] =	dma.local [hbm:s5], s21  }
0x16: {  	_ =	swait.ge [sflag:s23], s21  }
0x17: {  	s4 =	ssub.s32 $0x0, s21;
	[sflag:s23] =	ssyncset.done $0x0  }
0x18: {  	[sflag:s23] =	ssyncadd.s32 s4;
	_ =	sdelay $0x1  }
0x19: {  	s24 =	simm.s32 $0x1B8B  }
0x1a: {  	_ =	swait.ge [sflag:s24], $0x1  }
0x1b: {  	[sflag:s24] =	ssyncset.done $0x0  }
0x1c: {  	s26 =	simm.s32 $0x1B8E;
	s25 =	sld [smem:$0x3FFE];
	[sflag:s24] =	ssyncadd.s32 $0xFFFFFFFF  }
0x1d: {  	s27 =	simm.s32 $execute0_lowered;
	[smem:$0x3FD2] =	sst s26  }
0x1e: {  	s5 =	sshll.u32 s27, $0x1;
	_ =	strace $0x80000046;
	[dreg:$0x1] =	wrdreg $0xFFFFFFFF  }
0x1f: {  	s28 =	simm.s32 $_size_execute0_lowered;
	s3 =	sadd.s32 s3, s5;
	[dreg:$0x0] =	wrdreg $0x0  }
0x20: {  	s5 =	sshll.u32 s28, $0x1;
	[dreg:$0x2] =	wrdreg s3  }
0x21: {  	[dreg:$0x3] =	wrdreg s5  }
0x22: {  	[dreg:$0x4] =	wrdreg $0xC0  }
0x23: {  	_ =	task [dreg:s7], $0x5FFFF  }
0x24: {  	[dreg:$0x1] =	wrdreg $0xFFFFFFFF  }
0x25: {  	[dreg:$0x0] =	wrdreg $0x60  }
0x26: {  	[dreg:$0x2] =	wrdreg s2  }
0x27: {  	[dreg:$0x3] =	wrdreg s25  }
0x28: {  	[dreg:$0x4] =	wrdreg $0x9  }
0x29: {  	_ =	task.clear_ibuf [dreg:s7], $0x5FFFF;
	_ =	strace $0x90000046  }
0x2a: {  	s29 =	simm.s32 $0x9;
	_ =	strace $0x80000048  }
0x2b: {  	_ =	swait.ge [sflag:s29], $0x1  }
0x2c: {  	[sflag:s29] =	ssyncadd.s32 $0xFFFFFFFF  }
0x2d: {  	_ =	strace $0x90000048  }
0x2e: {  	_ =	sfence  }
0x2f: {  	s30 =	sld [smem:$0x0];
	_ =	sdelay $0x2  }
0x30: {  	s31 =	sshll.u32 s1, $0xD;
	s1 =	sshrl.u32 s1, $0x2  }
0x31: {  	s3 =	sand.u32 $0x4000, s31;
	s1 =	sadd.s32 s1, s30  }
0x32: {  	s0 =	sor.u32 s3, s0;
	s1 =	sshll.u32 s1, $0x11  }
0x33: {  	s0 =	sor.u32 s1, s0  }
0x34: {  	s0 =	sadd.s32 $0x8F2B, s0  }
0x35: {  	[sflag:s0] =	ssyncadd.remote.s32 $0x1  }
0x36: {  	_ =	sfence.sel $0xFFFF  }
0x37: {  	[dreg:$0x0] =	wrdreg $0xFFFFFFFF;
	(pc) =	sbr.abs _section_cstart, $3  }
0x38: {  	[dreg:$0x1] =	wrdreg $0xFFFFFFFF  }
0x39: {  	_ =	task.clear_ibuf [dreg:s7], $0x2FFFF;
	_ =	strace $0x9FFFFFFF  }
0x3a: {  	(tm) =	ssettm $0x7FFFFFFF  }
0x3b: {  	_ =	shalt  }
tec
execute0_lowered:
.L_overlay_start_1:
0x0: {  	(tag) =	ssettag $0x1  }
0x1: {  	s2 =	rddreg [dreg:$0x0]  }
0x2: {  	s1 =	rddreg [dreg:$0x1]  }
0x3: {  	s0 =	rddreg [dreg:$0x2];
	_ =	strace $0x80000047;
	s4 =	srdreg.scid  }
0x4: {  	s6 =	simm.s32 $0x2;
	s11 =	simm.s32 $0x0;
	p0 =	por $0x0, $0x0  }
.Ltmp0:
0x5: {  	s7 =	simm.s32 $0x1000;
	s12 =	simm.s32 $0x0;
	(pc) =	sbr.rel .LBB1_1-.Ltmp0, $4  }
0x6: {  	s9 =	simm.s32 $0x0;
	s3 =	sadd.s32 $0xA00, s1;
	s5 =	sshll.u32 s4, $0x4  }
0x7: {  	s1 =	stileid.u32;
	s4 =	simm.s32 $0x1;
	s5 =	sand.u32 $0x10, s5  }
0x8: {  	s8 =	simm.s32 $0x0;
	[sflag:s4] =	ssyncpa.u1 $0x0;
	s5 =	sor.u32 s1, s5  }
0x9: {  	[sflag:s6] =	ssyncpa.u1 $0x0;
	s6 =	simm.s32 $0x800;
	s10 =	smov.u32 s5  }
.LBB1_7:
0xa: {  	s13 =	sadd.s32 $0x10, s9  }
0xb: {  	s11 =	sadd.s32 $0x20, s10;
	s15 =	smov.u32 s10;
	p2 =	sgt.s32 s13, $0x1F  }
0xc: {  	p1 =	slt.u32 s8, $0x2;
	s15 =	smov.u32 @p2 s11  }
0xd: {  	s8 =	sadd.s32 $0x1, s8;
	s13 =	simm.s32 @p2 $0x0;
	p2 =	sgt.s32 s15, $0xFF  }
0xe: {  	s15 =	smov.u32 @p2 s5;
	p2 =	sne.s32 s8, $0x12  }
.Ltmp1:
0xf: {  	_ = 	snop;
	(pc) =	sbr.rel @!p2 .LBB1_8-.Ltmp1, $4  }
0x10: {  	s14 =	simm.s32 @!p1 $0x2  }
0x11: {  	s12 =	smov.u32 s10;
	_ =	swait.ge @!p1 [sflag:s14], $0x4000  }
0x12: {  	p0 =	por !p0, !p0;
	s11 =	smov.u32 s9;
	[sflag:s14] =	ssyncset.done @!p1 $0x0  }
0x13: {  	s9 =	smov.u32 s13;
	[sflag:s14] =	ssyncadd.s32 @!p1 $0xFFFFC000;
	s10 =	smov.u32 s15  }
.LBB1_1:
0x14: {  	p1 =	sgt.u32 s8, $0xF  }
0x15: {  	s13 =	sxor.u32 @!p1 $0xFFFFFFFF, s8;
	s14 =	sshll.u32 @!p1 s10, $0xC  }
0x16: {  	s15 =	sshll.u32 @!p1 s9, $0x7;
	s13 =	sshll.u32 @!p1 s13, $0xE;
	s14 =	sadd.s32 @!p1 s2, s14  }
0x17: {  	s13 =	sand.u32 @!p1 $0x4000, s13;
	s14 =	sadd.s32 @!p1 s15, s14;
	s15 =	simm.s32 @!p1 $0x0  }
0x18: {  	[tilespmem:s13], [sflag:$0x1] =	stream.linear.gather @!p1 [hbm4b:s14+s15], $0x4000, $0x38;
	[tilespmem:$0x10000] =	vst v63  }
0x19: {  	p1 =	seq.s32 s8, $0x0  }
0x1a: {  	p2 =	seq.s32 @!p1 s8, $0x11  }
0x1b: {  	p1 =	por p1, p2  }
.Ltmp2:
0x1c: {  	_ = 	snop;
	(pc) =	sbr.rel @p1 .LBB1_7-.Ltmp2, $1  }
0x1d: {  	_ =	sdelay $0x3  }
0x1e: {  	s13 =	simm.s32 $0x1;
	_ =	swait.ge [sflag:s4], $0x4000;
	s16 =	sshll.u32 s8, $0xE  }
0x1f: {  	s13 =	simm.s32 @!p0 $0x0;
	[sflag:s4] =	ssyncset.done $0x0;
	s31 =	sand.u32 $0x4000, s16  }
0x20: {  	s16 =	simm.s32 $0x0;
	s14 =	sshll.u32 s13, $0xE;
	[sflag:s4] =	ssyncadd.s32 $0xFFFFC000  }
0x21: {  	s13 =	sor.u32 $0x8040, s14;
	s15 =	sor.u32 $0x40, s14;
	s14 =	sor.u32 $0x8000, s31  }
.LBB1_3:
0x22: {  	v0 =	vmov s15;
	_ =	sdelay $0x3  }
0x23: {  	s18 =	simm.s32 $0x0  }
0x24: {  	v6 =	vld.idx.msk [tilespmem:v0+s18+$0x30 ss:$0x1], $0xffff  }
0x25: {  	v7 =	vld.idx.msk [tilespmem:v0+s18+$0xFFFFFFC0 ss:$0x1], $0xffff  }
0x26: {  	v5 =	vld.idx.msk [tilespmem:v0+s18+$0xFFFFFFD0 ss:$0x1], $0xffff  }
0x27: {  	v4 =	vld.idx.msk [tilespmem:v0+s18+$0xFFFFFFE0 ss:$0x1], $0xffff  }
0x28: {  	v3 =	vld.idx.msk [tilespmem:v0+s18+$0xFFFFFFF0 ss:$0x1], $0xffff  }
0x29: {  	v1 =	vld.idx.msk [tilespmem:v0+s18+$0x0 ss:$0x1], $0xffff  }
0x2a: {  	v2 =	vld.idx.msk [tilespmem:v0+s18+$0x10 ss:$0x1], $0xffff;
	[tilespmem:s13+$0x30] =	vst v6  }
0x2b: {  	s17 =	simm.s32 $0x80;
	s19 =	simm.s32 $0x400;
	[tilespmem:s13+$0xFFFFFFC0] =	vst v7;
	v6 =	vld.idx.msk [tilespmem:v0+s18+$0x20 ss:$0x1], $0xffff;
	s18 =	smov.u32 s13  }
.LBB1_4:
0x2c: {  	p1 =	sne.s32 s19, $0xE00;
	v7 =	vld.idx.msk [tilespmem:v0+s17+$0x30 ss:$0x1], $0xffff;
	[tilespmem:s18+$0xFFFFFFD0] =	vst v5  }
0x2d: {  	v8 =	vld.idx.msk [tilespmem:v0+s17+$0xFFFFFFC0 ss:$0x1], $0xffff;
	[tilespmem:s18+$0xFFFFFFE0] =	vst v4  }
0x2e: {  	v5 =	vld.idx.msk [tilespmem:v0+s17+$0xFFFFFFD0 ss:$0x1], $0xffff;
	[tilespmem:s18+$0xFFFFFFF0] =	vst v3  }
.Ltmp3:
0x2f: {  	v4 =	vld.idx.msk [tilespmem:v0+s17+$0xFFFFFFE0 ss:$0x1], $0xffff;
	[tilespmem:s18+$0x0] =	vst v1;
	(pc) =	sbr.rel @p1 .LBB1_4-.Ltmp3, $4  }
0x30: {  	v3 =	vld.idx.msk [tilespmem:v0+s17+$0xFFFFFFF0 ss:$0x1], $0xffff;
	[tilespmem:s18+$0x10] =	vst v2  }
0x31: {  	v1 =	vld.idx.msk [tilespmem:v0+s17+$0x0 ss:$0x1], $0xffff;
	[tilespmem:s18+$0x20] =	vst v6;
	s18 =	sadd.s32 $0x800, s18  }
0x32: {  	v2 =	vld.idx.msk [tilespmem:v0+s17+$0x10 ss:$0x1], $0xffff;
	[tilespmem:s18+$0x30] =	vst v7  }
0x33: {  	[tilespmem:s18+$0xFFFFFFC0] =	vst v8;
	v6 =	vld.idx.msk [tilespmem:v0+s17+$0x20 ss:$0x1], $0xffff;
	s17 =	sshra.s32 s19, $0x2;
	s19 =	sadd.s32 $0x200, s19  }
0x34: {  	_ =	sdelay $0x2  }
0x35: {  	[tilespmem:s18+$0xFFFFFFD0] =	vst v5  }
0x36: {  	v56 =	vld.idx.msk [tilespmem:v0+s17+$0x30 ss:$0x1], $0xffff;
	[tilespmem:s18+$0xFFFFFFE0] =	vst v4  }
0x37: {  	v57 =	vld.idx.msk [tilespmem:v0+s17+$0xFFFFFFC0 ss:$0x1], $0xffff;
	[tilespmem:s18+$0xFFFFFFF0] =	vst v3  }
0x38: {  	v58 =	vld.idx.msk [tilespmem:v0+s17+$0xFFFFFFD0 ss:$0x1], $0xffff;
	[tilespmem:s18+$0x0] =	vst v1  }
0x39: {  	v59 =	vld.idx.msk [tilespmem:v0+s17+$0xFFFFFFE0 ss:$0x1], $0xffff;
	[tilespmem:s18+$0x10] =	vst v2  }
0x3a: {  	v60 =	vld.idx.msk [tilespmem:v0+s17+$0xFFFFFFF0 ss:$0x1], $0xffff;
	s31 =	sadd.s32 $0x800, s18;
	[tilespmem:s18+$0x20] =	vst v6  }
0x3b: {  	v61 =	vld.idx.msk [tilespmem:v0+s17+$0x0 ss:$0x1], $0xffff;
	[tilespmem:s31+$0x30] =	vst v56  }
0x3c: {  	v62 =	vld.idx.msk [tilespmem:v0+s17+$0x10 ss:$0x1], $0xffff;
	s16 =	sadd.s32 $0x1, s16;
	[tilespmem:s31+$0xFFFFFFC0] =	vst v57  }
0x3d: {  	v63 =	vld.idx.msk [tilespmem:v0+s17+$0x20 ss:$0x1], $0xffff;
	p1 =	sne.s32 s16, $0x10;
	[tilespmem:s31+$0xFFFFFFD0] =	vst v58  }
.Ltmp4:
0x3e: {  	[tilespmem:s31+$0xFFFFFFE0] =	vst v59;
	(pc) =	sbr.rel @p1 .LBB1_3-.Ltmp4, $4  }
0x3f: {  	[tilespmem:s31+$0xFFFFFFF0] =	vst v60  }
0x40: {  	[tilespmem:s31+$0x0] =	vst v61  }
0x41: {  	[tilespmem:s31+$0x10] =	vst v62  }
0x42: {  	s13 =	sadd.s32 $0x80, s13;
	s15 =	sadd.s32 $0x400, s15;
	[tilespmem:s31+$0x20] =	vst v63  }
.Ltmp5:
0x43: {  	(pc) =	sbr.rel .LBB1_7-.Ltmp5, $4  }
0x44: {  	s12 =	sshll.u32 s12, $0xC;
	s11 =	sshll.u32 s11, $0x4  }
0x45: {  	s11 =	sand.u32 $0x1F0, s11;
	s12 =	sadd.s32 s3, s12  }
0x46: {  	s11 =	sadd.s32 s11, s12  }
0x47: {  	[hbm4b:s11+s6] =	stream.strided.scatter [tilespmem:s14], [sflag:$0x2], $0x4000, s7, s6, $0x38;
	[tilespmem:$0x10000] =	vst v63  }
.LBB1_8:
0x48: {  	_ =	sfence.sel $0x180000  }
0x49: {  	s2 =	simm.s32 $0x1;
	[bflag:$0x0] =	sbarrier.arrive $0xFFFF  }
0x4a: {  	s31 =	simm.s32 $0x2;
	[sflag:s2] =	ssyncpa.u1 $0x1  }
0x4b: {  	[sflag:s31] =	ssyncpa.u1 $0x1  }
0x4c: {  	p0 =	sne.s32 s1, $0x0;
	_ =	strace $0x90000047  }
0x4d: {  	s0 =	sadd.s32 @!p0 $0x100000, s0;
	[bflag:$0x2] =	sbarrier.arrive $0xFFFF  }
0x4e: {  	[sflag:s0] =	ssyncadd.tile.s32 @!p0 $0x1;
	_ =	shalt  }
.Lfunc_end1:
_tile_overlayer_lowered:
.L_overlay_start_2:
0x4f: {  	(tag) =	ssettag $0x2  }
0x50: {  	s0 =	rddreg [dreg:$0x0];
	s2 =	stileid.u32  }
0x51: {  	s1 =	rddreg [dreg:$0x1];
	p0 =	sne.s32 s2, $0x0  }
0x52: {  	s3 =	rddreg [dreg:$0x2];
	[bflag:$0x3] =	sbarrier.arrive $0xFFFF;
	s2 =	simm.s32 @!p0 $0x1C01  }
0x53: {  	[timem:s3], [sflag:s2] =	dma.local @!p0 [hbm:s0], s1  }
0x54: {  	s0 =	simm.s32 @!p0 $0x1  }
0x55: {  	_ =	swait.ge @!p0 [sflag:s0], s1  }
0x56: {  	s1 =	ssub.s32 @!p0 $0x0, s1;
	[sflag:s0] =	ssyncset.done @!p0 $0x0  }
0x57: {  	[sflag:s0] =	ssyncadd.s32 @!p0 s1  }
0x58: {  	[bflag:$0x3] =	sbarrier.arrive $0xFFFF  }
0x59: {  	_ =	shalt  }

</sc_bundles>
